<compile_context>
chip_gen: v7x
topology: tpu7x:2x2x1
jax: 0.10.2.dev20260603
libtpu: 0.0.44.dev20260713+nightly
codegen_flags: <defaults>
</compile_context>

<pallas_src>
import numpy as np
import jax
import jax.numpy as jnp
from jax import lax
from jax.experimental import pallas as pl
from jax.experimental.pallas import tpu as pltpu
from jax.experimental.pallas import tpu_sc as plsc

_N = 30
_NC2 = _N * (_N - 1) // 2
_PAD = 448
_NCHUNK = _PAD // 16
_TAIL = _NC2 - (_NCHUNK - 1) * 16
_NBUF = 2


def _build_pair_rows():
    ra = np.zeros((_PAD,), dtype=np.int32)
    rb = np.zeros((_PAD,), dtype=np.int32)
    p = 0
    for i2 in range(_N):
        for j2 in range(i2):
            ra[p] = i2
            rb[p] = j2
            p += 1
    return ra, rb


_ROW_A, _ROW_B = _build_pair_rows()


def _scatter_row(nrf_v, ra_v, rb_v, plane):
    lane = lax.iota(jnp.int32, 16)
    for j in range(_NCHUNK):
        sl = pl.ds(j * 16, 16)
        v = nrf_v[sl] * 0.5
        col = lane + (j * 16)
        ra = ra_v[sl]
        rb = rb_v[sl]
        if j == _NCHUNK - 1:
            mask = lane < _TAIL
            plsc.store_scatter(plane, [ra, col], v, mask=mask)
            plsc.store_scatter(plane, [rb, col], v, mask=mask)
        else:
            plsc.store_scatter(plane, [ra, col], v)
            plsc.store_scatter(plane, [rb, col], v)


def _sc_body(nrf_hbm, ra_hbm, rb_hbm, zeros_hbm, out_hbm, *scratch):
    nrfs = scratch[0:_NBUF]
    ra_v = scratch[_NBUF]
    rb_v = scratch[_NBUF + 1]
    planes = scratch[_NBUF + 2:2 * _NBUF + 2]
    sems_in = scratch[2 * _NBUF + 2:3 * _NBUF + 2]
    sems_out = scratch[3 * _NBUF + 2:4 * _NBUF + 2]

    num_cores = lax.axis_size("c")
    num_sub = lax.axis_size("s")
    wid = lax.axis_index("s") * num_cores + lax.axis_index("c")
    nw = num_cores * num_sub
    batch = nrf_hbm.shape[0]
    rows = batch // nw
    base = wid * rows

    pltpu.sync_copy(ra_hbm, ra_v)
    pltpu.sync_copy(rb_hbm, rb_v)
    for q in range(_NBUF):
        pltpu.sync_copy(zeros_hbm, planes[q])
        pltpu.async_copy(nrf_hbm.at[base + q],
                         nrfs[q].at[pl.ds(0, _NC2)], sems_in[q])

    def step(rr, carry):
        for q in range(_NBUF):
            r = rr * _NBUF + q
            b = base + r
            @pl.when(rr >= 1)
            def _():
                pltpu.make_async_copy(planes[q], out_hbm.at[b],
                                      sems_out[q]).wait()
            pltpu.make_async_copy(nrf_hbm.at[b],
                                  nrfs[q].at[pl.ds(0, _NC2)],
                                  sems_in[q]).wait()
            _scatter_row(nrfs[q], ra_v, rb_v, planes[q])
            @pl.when(rr < (rows // _NBUF) - 1)
            def _():
                pltpu.async_copy(nrf_hbm.at[b + _NBUF],
                                 nrfs[q].at[pl.ds(0, _NC2)], sems_in[q])
            pltpu.async_copy(planes[q], out_hbm.at[b], sems_out[q])
        return carry

    lax.fori_loop(0, rows // _NBUF, step, 0)

    for q in range(_NBUF):
        pltpu.make_async_copy(planes[q],
                              out_hbm.at[base + rows - _NBUF + q],
                              sems_out[q]).wait()


def kernel(_NRF):
    b = _NRF.shape[0]
    mesh = plsc.VectorSubcoreMesh(core_axis_name="c", subcore_axis_name="s")
    scratch = (
        [pltpu.VMEM((_PAD,), jnp.float32) for _ in range(_NBUF)]
        + [pltpu.VMEM((_PAD,), jnp.int32) for _ in range(2)]
        + [pltpu.VMEM((_N, _NC2), jnp.float32) for _ in range(_NBUF)]
        + [pltpu.SemaphoreType.DMA for _ in range(2 * _NBUF)]
    )
    sc_call = pl.kernel(
        _sc_body,
        out_type=jax.ShapeDtypeStruct((b, _N, _NC2), _NRF.dtype),
        mesh=mesh,
        scratch_types=scratch,
        compiler_params=pltpu.CompilerParams(
            use_tc_tiling_on_sc=False, needs_layout_passes=False),
    )
    return sc_call(
        _NRF,
        jnp.asarray(_ROW_A),
        jnp.asarray(_ROW_B),
        jnp.zeros((_N, _NC2), jnp.float32),
    )

# --- scband reference (transcript-rebuilt; emitter-appended) ---
"""Pipeline reference for scband-transform-nrf-6073083756912 (READ-ONLY COPY).

The authoritative reference and input builder live on the scoring server;
editing this copy changes nothing except your own understanding.
"""

import jax, jax.numpy as jnp
import numpy as np

N_ATOMS = 30
NC2 = N_ATOMS * (N_ATOMS - 1) // 2  # 435
BATCH = 4096


def _build_maps():
    # Pairs in the same row-major order as the TF loops: (i2, j2) with j2 < i2
    n = N_ATOMS
    pairs = [(i2, j2) for i2 in range(n) for j2 in range(i2)]
    # Gather index G[i, p] = partner atom of atom i in pair p (0 if not involved)
    # Mask M[i, p] = 1 if atom i participates in pair p else 0.
    # This reproduces the TF loop exactly: when i2 == i the partner is j2,
    # when j2 == i the partner is i2, matching a[count] ordering.
    G = np.zeros((n, len(pairs)), dtype=np.int32)
    M = np.zeros((n, len(pairs)), dtype=np.float32)
    for i in range(n):
        for p, (i2, j2) in enumerate(pairs):
            if i2 == i:
                G[i, p] = j2
                M[i, p] = 1.0
            elif j2 == i:
                G[i, p] = i2
                M[i, p] = 1.0
    # Flat row-major indices of the strict lower triangle (matches tf.where order)
    tri_idx = np.array([i2 * n + j2 for (i2, j2) in pairs], dtype=np.int32)
    return G, M, tri_idx

_G, _M, _TRI_IDX = _build_maps()


def setup_inputs(seed: int = 0) -> dict:
    key = jax.random.key(seed)
    _NRF = jax.random.normal(key, (BATCH, NC2), dtype=jnp.float32)
    return {"_NRF": _NRF}


def reference(_NRF):
    n = N_ATOMS
    b = _NRF.shape[0]
    # --- Triangle layer ---
    decomp = jnp.transpose(_NRF)  # [NC2, B]
    flat = jnp.zeros((n * n, b), dtype=_NRF.dtype).at[jnp.asarray(_TRI_IDX)].set(decomp)
    result_t = flat.reshape(n, n, b)          # strict lower triangle filled, transposed layout
    Q = jnp.transpose(result_t, (2, 0, 1))    # [B, n, n] lower
    Q2 = jnp.transpose(result_t, (2, 1, 0))   # [B, n, n] upper
    tri_NRF = (Q + Q2) / 2.0                  # symmetric pair matrix, halved (as in TF code)
    # --- per-atom pair expansion ---
    # eij[b, i, p] = tri_NRF[b, i, partner(i, p)] if atom i in pair p else 0
    row_idx = np.arange(n)[:, None]           # [n, 1]
    gathered = tri_NRF[:, row_idx, _G]        # [B, n, NC2]
    eij_NRF = gathered * jnp.asarray(_M)[None, :, :]
    return eij_NRF

if __name__ == "__main__":
    import jax
    _d = setup_inputs()
    print(jax.jit(kernel)(*tuple(_d.values())))

</pallas_src>

<mosaic_0001>
#map = affine_map<(d0, d1) -> (0, 0)>
#map1 = affine_map<(d0, d1) -> (0)>
#map2 = affine_map<(d0, d1) -> (0, 0, 0)>
module attributes {stable_mosaic.version = 14 : i64} {
  func.func @_sc_body(%arg0: i32, %arg1: i32, %arg2: memref<4096x435xf32, #tpu.memory_space<hbm>>, %arg3: memref<448xi32, #tpu.memory_space<hbm>>, %arg4: memref<448xi32, #tpu.memory_space<hbm>>, %arg5: memref<30x435xf32, #tpu.memory_space<hbm>>, %arg6: memref<4096x30x435xf32, #tpu.memory_space<hbm>>, %arg7: memref<448xf32, #tpu.memory_space<vmem>>, %arg8: memref<448xf32, #tpu.memory_space<vmem>>, %arg9: memref<448xi32, #tpu.memory_space<vmem>>, %arg10: memref<448xi32, #tpu.memory_space<vmem>>, %arg11: memref<30x435xf32, #tpu.memory_space<vmem>>, %arg12: memref<30x435xf32, #tpu.memory_space<vmem>>, %arg13: memref<!tpu.dma_semaphore, #tpu.memory_space<semaphore_mem>>, %arg14: memref<!tpu.dma_semaphore, #tpu.memory_space<semaphore_mem>>, %arg15: memref<!tpu.dma_semaphore, #tpu.memory_space<semaphore_mem>>, %arg16: memref<!tpu.dma_semaphore, #tpu.memory_space<semaphore_mem>>) attributes {dimension_semantics = [#tpu.dimension_semantics<core_parallel>, #tpu.dimension_semantics<subcore_parallel>], iteration_bounds = array<i64: 2, 16>, scalar_prefetch = 0 : i64, scratch_operands = 10 : i64, tpu.core_type = #tpu.core_type<sc_vector_subcore>, window_params = [{transform_indices = #map}, {transform_indices = #map1}, {transform_indices = #map1}, {transform_indices = #map}, {transform_indices = #map2}]} {
    %mul3A = arith.constant 2 : i32
    %mul3A_0 = arith.muli %arg1, %mul3A : i32
    %add3A = arith.addi %mul3A_0, %arg0 : i32
    %mul3A_1 = arith.constant 128 : i32
    %mul3A_2 = arith.muli %add3A, %mul3A_1 : i32
    "tpu.region"() ({
      %run_scoped3A = tpu.sem_alloc : memref<!tpu.dma_semaphore, #tpu.memory_space<semaphore_mem>>
      tpu.enqueue_dma source(%arg3 : memref<448xi32, #tpu.memory_space<hbm>>) target(%arg9 : memref<448xi32, #tpu.memory_space<vmem>>) target_semaphore(%run_scoped3A : memref<!tpu.dma_semaphore, #tpu.memory_space<semaphore_mem>>)
      tpu.wait_dma2 semaphore(%run_scoped3A : memref<!tpu.dma_semaphore, #tpu.memory_space<semaphore_mem>>) src(%arg3 : memref<448xi32, #tpu.memory_space<hbm>>) dst(%arg9 : memref<448xi32, #tpu.memory_space<vmem>>)
      tpu.yield
    }) : () -> ()
    "tpu.region"() ({
      %run_scoped3A = tpu.sem_alloc : memref<!tpu.dma_semaphore, #tpu.memory_space<semaphore_mem>>
      tpu.enqueue_dma source(%arg4 : memref<448xi32, #tpu.memory_space<hbm>>) target(%arg10 : memref<448xi32, #tpu.memory_space<vmem>>) target_semaphore(%run_scoped3A : memref<!tpu.dma_semaphore, #tpu.memory_space<semaphore_mem>>)
      tpu.wait_dma2 semaphore(%run_scoped3A : memref<!tpu.dma_semaphore, #tpu.memory_space<semaphore_mem>>) src(%arg4 : memref<448xi32, #tpu.memory_space<hbm>>) dst(%arg10 : memref<448xi32, #tpu.memory_space<vmem>>)
      tpu.yield
    }) : () -> ()
    "tpu.region"() ({
      %run_scoped3A = tpu.sem_alloc : memref<!tpu.dma_semaphore, #tpu.memory_space<semaphore_mem>>
      tpu.enqueue_dma source(%arg5 : memref<30x435xf32, #tpu.memory_space<hbm>>) target(%arg11 : memref<30x435xf32, #tpu.memory_space<vmem>>) target_semaphore(%run_scoped3A : memref<!tpu.dma_semaphore, #tpu.memory_space<semaphore_mem>>)
      tpu.wait_dma2 semaphore(%run_scoped3A : memref<!tpu.dma_semaphore, #tpu.memory_space<semaphore_mem>>) src(%arg5 : memref<30x435xf32, #tpu.memory_space<hbm>>) dst(%arg11 : memref<30x435xf32, #tpu.memory_space<vmem>>)
      tpu.yield
    }) : () -> ()
    %add3A_3 = arith.constant 0 : i32
    %add3A_4 = arith.addi %mul3A_2, %add3A_3 : i32
    %dma_start3A = arith.constant 0 : i32
    %dma_start3A_5 = tpu.memref_slice %arg7[%dma_start3A] : memref<448xf32, #tpu.memory_space<vmem>> -> memref<435xf32, #tpu.memory_space<vmem>>
    %dma_start3A_6 = arith.constant 0 : i32
    %dma_start3A_7 = tpu.memref_slice %arg2[%add3A_4, %dma_start3A_6] : memref<4096x435xf32, #tpu.memory_space<hbm>> -> memref<1x435xf32, #tpu.memory_space<hbm>>
    %dma_start3A_8 = tpu.memref_squeeze %dma_start3A_7 : memref<1x435xf32, #tpu.memory_space<hbm>> -> memref<435xf32, #tpu.memory_space<hbm>>
    %dma_start3A_9 = arith.constant 0 : i32
    %dma_start3A_10 = tpu.memref_slice %arg7[%dma_start3A_9] : memref<448xf32, #tpu.memory_space<vmem>> -> memref<435xf32, #tpu.memory_space<vmem>>
    %dma_start3A_11 = arith.constant 0 : i32
    %dma_start3A_12 = tpu.memref_slice %arg2[%add3A_4, %dma_start3A_11] : memref<4096x435xf32, #tpu.memory_space<hbm>> -> memref<1x435xf32, #tpu.memory_space<hbm>>
    %dma_start3A_13 = tpu.memref_squeeze %dma_start3A_12 : memref<1x435xf32, #tpu.memory_space<hbm>> -> memref<435xf32, #tpu.memory_space<hbm>>
    tpu.enqueue_dma source(%dma_start3A_13 : memref<435xf32, #tpu.memory_space<hbm>>) target(%dma_start3A_10 : memref<435xf32, #tpu.memory_space<vmem>>) target_semaphore(%arg13 : memref<!tpu.dma_semaphore, #tpu.memory_space<semaphore_mem>>)
    "tpu.region"() ({
      %run_scoped3A = tpu.sem_alloc : memref<!tpu.dma_semaphore, #tpu.memory_space<semaphore_mem>>
      tpu.enqueue_dma source(%arg5 : memref<30x435xf32, #tpu.memory_space<hbm>>) target(%arg12 : memref<30x435xf32, #tpu.memory_space<vmem>>) target_semaphore(%run_scoped3A : memref<!tpu.dma_semaphore, #tpu.memory_space<semaphore_mem>>)
      tpu.wait_dma2 semaphore(%run_scoped3A : memref<!tpu.dma_semaphore, #tpu.memory_space<semaphore_mem>>) src(%arg5 : memref<30x435xf32, #tpu.memory_space<hbm>>) dst(%arg12 : memref<30x435xf32, #tpu.memory_space<vmem>>)
      tpu.yield
    }) : () -> ()
    %add3A_14 = arith.constant 1 : i32
    %add3A_15 = arith.addi %mul3A_2, %add3A_14 : i32
    %dma_start3A_16 = arith.constant 0 : i32
    %dma_start3A_17 = tpu.memref_slice %arg8[%dma_start3A_16] : memref<448xf32, #tpu.memory_space<vmem>> -> memref<435xf32, #tpu.memory_space<vmem>>
    %dma_start3A_18 = arith.constant 0 : i32
    %dma_start3A_19 = tpu.memref_slice %arg2[%add3A_15, %dma_start3A_18] : memref<4096x435xf32, #tpu.memory_space<hbm>> -> memref<1x435xf32, #tpu.memory_space<hbm>>
    %dma_start3A_20 = tpu.memref_squeeze %dma_start3A_19 : memref<1x435xf32, #tpu.memory_space<hbm>> -> memref<435xf32, #tpu.memory_space<hbm>>
    %dma_start3A_21 = arith.constant 0 : i32
    %dma_start3A_22 = tpu.memref_slice %arg8[%dma_start3A_21] : memref<448xf32, #tpu.memory_space<vmem>> -> memref<435xf32, #tpu.memory_space<vmem>>
    %dma_start3A_23 = arith.constant 0 : i32
    %dma_start3A_24 = tpu.memref_slice %arg2[%add3A_15, %dma_start3A_23] : memref<4096x435xf32, #tpu.memory_space<hbm>> -> memref<1x435xf32, #tpu.memory_space<hbm>>
    %dma_start3A_25 = tpu.memref_squeeze %dma_start3A_24 : memref<1x435xf32, #tpu.memory_space<hbm>> -> memref<435xf32, #tpu.memory_space<hbm>>
    tpu.enqueue_dma source(%dma_start3A_25 : memref<435xf32, #tpu.memory_space<hbm>>) target(%dma_start3A_22 : memref<435xf32, #tpu.memory_space<vmem>>) target_semaphore(%arg14 : memref<!tpu.dma_semaphore, #tpu.memory_space<semaphore_mem>>)
    %scan3A = arith.constant 0 : i32
    %scan3A_26 = arith.constant 0 : i32
    %scan3A_27 = arith.constant 64 : i32
    %scan3A_28 = arith.addi %scan3A_26, %scan3A_27 : i32
    %scan3A_29 = arith.constant 1 : i32
    scf.for %scan3A_57 = %scan3A_26 to %scan3A_28 step %scan3A_29  : i32 {
      %mul3A_58 = arith.constant 2 : i32
      %mul3A_59 = arith.muli %scan3A_57, %mul3A_58 : i32
      %add3A_60 = arith.constant 0 : i32
      %add3A_61 = arith.addi %mul3A_59, %add3A_60 : i32
      %add3A_62 = arith.addi %mul3A_2, %add3A_61 : i32
      %ge3A = arith.constant 1 : i32
      %ge3A_63 = arith.cmpi sge, %scan3A_57, %ge3A : i32
      %convert_element_type3A = arith.extui %ge3A_63 : i1 to i32
      %cond3A = arith.constant 0 : i32
      %cond3A_64 = arith.cmpi ne, %convert_element_type3A, %cond3A : i32
      scf.if %cond3A_64 {
        %dma_wait3A_798 = arith.constant 0 : i32
        %dma_wait3A_799 = arith.constant 0 : i32
        %dma_wait3A_800 = tpu.memref_slice %arg6[%add3A_62, %dma_wait3A_798, %dma_wait3A_799] : memref<4096x30x435xf32, #tpu.memory_space<hbm>> -> memref<1x30x435xf32, #tpu.memory_space<hbm>>
        %dma_wait3A_801 = tpu.memref_squeeze %dma_wait3A_800 : memref<1x30x435xf32, #tpu.memory_space<hbm>> -> memref<30x435xf32, #tpu.memory_space<hbm>>
        %dma_wait3A_802 = arith.constant 0 : i32
        %dma_wait3A_803 = arith.constant 0 : i32
        %dma_wait3A_804 = tpu.memref_slice %arg6[%add3A_62, %dma_wait3A_802, %dma_wait3A_803] : memref<4096x30x435xf32, #tpu.memory_space<hbm>> -> memref<1x30x435xf32, #tpu.memory_space<hbm>>
        %dma_wait3A_805 = tpu.memref_squeeze %dma_wait3A_804 : memref<1x30x435xf32, #tpu.memory_space<hbm>> -> memref<30x435xf32, #tpu.memory_space<hbm>>
        tpu.wait_dma2 semaphore(%arg15 : memref<!tpu.dma_semaphore, #tpu.memory_space<semaphore_mem>>) src(%arg11 : memref<30x435xf32, #tpu.memory_space<vmem>>) dst(%dma_wait3A_805 : memref<30x435xf32, #tpu.memory_space<hbm>>)
      } else {
      }
      %dma_wait3A_65 = arith.constant 0 : i32
      %dma_wait3A_66 = tpu.memref_slice %arg7[%dma_wait3A_65] : memref<448xf32, #tpu.memory_space<vmem>> -> memref<435xf32, #tpu.memory_space<vmem>>
      %dma_wait3A_67 = arith.constant 0 : i32
      %dma_wait3A_68 = tpu.memref_slice %arg2[%add3A_62, %dma_wait3A_67] : memref<4096x435xf32, #tpu.memory_space<hbm>> -> memref<1x435xf32, #tpu.memory_space<hbm>>
      %dma_wait3A_69 = tpu.memref_squeeze %dma_wait3A_68 : memref<1x435xf32, #tpu.memory_space<hbm>> -> memref<435xf32, #tpu.memory_space<hbm>>
      %dma_wait3A_70 = arith.constant 0 : i32
      %dma_wait3A_71 = tpu.memref_slice %arg7[%dma_wait3A_70] : memref<448xf32, #tpu.memory_space<vmem>> -> memref<435xf32, #tpu.memory_space<vmem>>
      %dma_wait3A_72 = arith.constant 0 : i32
      %dma_wait3A_73 = tpu.memref_slice %arg2[%add3A_62, %dma_wait3A_72] : memref<4096x435xf32, #tpu.memory_space<hbm>> -> memref<1x435xf32, #tpu.memory_space<hbm>>
      %dma_wait3A_74 = tpu.memref_squeeze %dma_wait3A_73 : memref<1x435xf32, #tpu.memory_space<hbm>> -> memref<435xf32, #tpu.memory_space<hbm>>
      tpu.wait_dma2 semaphore(%arg13 : memref<!tpu.dma_semaphore, #tpu.memory_space<semaphore_mem>>) src(%dma_wait3A_74 : memref<435xf32, #tpu.memory_space<hbm>>) dst(%dma_wait3A_71 : memref<435xf32, #tpu.memory_space<vmem>>)
      %iota3A = tpu.iota {dimensions = array<i32: 0>} : vector<16xi32>
      %get3A = arith.constant 0 : index
      %get3A_75 = tpu.vector_load %arg7[%get3A] {strides = array<i32>} : memref<448xf32, #tpu.memory_space<vmem>>, vector<16xf32>,
      %mul3A_76 = arith.constant 5.000000e-01 : f32
      %mul3A_77 = vector.broadcast %mul3A_76 : f32 to vector<16xf32>
      %mul3A_78 = arith.mulf %get3A_75, %mul3A_77 : vector<16xf32>
      %add3A_79 = arith.constant 0 : i32
      %add3A_80 = vector.broadcast %add3A_79 : i32 to vector<16xi32>
      %add3A_81 = arith.addi %iota3A, %add3A_80 : vector<16xi32>
      %get3A_82 = arith.constant 0 : index
      %get3A_83 = tpu.vector_load %arg9[%get3A_82] {strides = array<i32>} : memref<448xi32, #tpu.memory_space<vmem>>, vector<16xi32>,
      %get3A_84 = arith.constant 0 : index
      %get3A_85 = tpu.vector_load %arg10[%get3A_84] {strides = array<i32>} : memref<448xi32, #tpu.memory_space<vmem>>, vector<16xi32>,
      tpu.vector_store_idx %arg11[%get3A_83, %add3A_81], %mul3A_78 : memref<30x435xf32, #tpu.memory_space<vmem>>[vector<16xi32>, vector<16xi32>], vector<16xf32>,
      tpu.vector_store_idx %arg11[%get3A_85, %add3A_81], %mul3A_78 : memref<30x435xf32, #tpu.memory_space<vmem>>[vector<16xi32>, vector<16xi32>], vector<16xf32>,
      %get3A_86 = arith.constant 16 : index
      %get3A_87 = tpu.vector_load %arg7[%get3A_86] {strides = array<i32>} : memref<448xf32, #tpu.memory_space<vmem>>, vector<16xf32>,
      %mul3A_88 = arith.constant 5.000000e-01 : f32
      %mul3A_89 = vector.broadcast %mul3A_88 : f32 to vector<16xf32>
      %mul3A_90 = arith.mulf %get3A_87, %mul3A_89 : vector<16xf32>
      %add3A_91 = arith.constant 16 : i32
      %add3A_92 = vector.broadcast %add3A_91 : i32 to vector<16xi32>
      %add3A_93 = arith.addi %iota3A, %add3A_92 : vector<16xi32>
      %get3A_94 = arith.constant 16 : index
      %get3A_95 = tpu.vector_load %arg9[%get3A_94] {strides = array<i32>} : memref<448xi32, #tpu.memory_space<vmem>>, vector<16xi32>,
      %get3A_96 = arith.constant 16 : index
      %get3A_97 = tpu.vector_load %arg10[%get3A_96] {strides = array<i32>} : memref<448xi32, #tpu.memory_space<vmem>>, vector<16xi32>,
      tpu.vector_store_idx %arg11[%get3A_95, %add3A_93], %mul3A_90 : memref<30x435xf32, #tpu.memory_space<vmem>>[vector<16xi32>, vector<16xi32>], vector<16xf32>,
      tpu.vector_store_idx %arg11[%get3A_97, %add3A_93], %mul3A_90 : memref<30x435xf32, #tpu.memory_space<vmem>>[vector<16xi32>, vector<16xi32>], vector<16xf32>,
      %get3A_98 = arith.constant 32 : index
      %get3A_99 = tpu.vector_load %arg7[%get3A_98] {strides = array<i32>} : memref<448xf32, #tpu.memory_space<vmem>>, vector<16xf32>,
      %mul3A_100 = arith.constant 5.000000e-01 : f32
      %mul3A_101 = vector.broadcast %mul3A_100 : f32 to vector<16xf32>
      %mul3A_102 = arith.mulf %get3A_99, %mul3A_101 : vector<16xf32>
      %add3A_103 = arith.constant 32 : i32
      %add3A_104 = vector.broadcast %add3A_103 : i32 to vector<16xi32>
      %add3A_105 = arith.addi %iota3A, %add3A_104 : vector<16xi32>
      %get3A_106 = arith.constant 32 : index
      %get3A_107 = tpu.vector_load %arg9[%get3A_106] {strides = array<i32>} : memref<448xi32, #tpu.memory_space<vmem>>, vector<16xi32>,
      %get3A_108 = arith.constant 32 : index
      %get3A_109 = tpu.vector_load %arg10[%get3A_108] {strides = array<i32>} : memref<448xi32, #tpu.memory_space<vmem>>, vector<16xi32>,
      tpu.vector_store_idx %arg11[%get3A_107, %add3A_105], %mul3A_102 : memref<30x435xf32, #tpu.memory_space<vmem>>[vector<16xi32>, vector<16xi32>], vector<16xf32>,
      tpu.vector_store_idx %arg11[%get3A_109, %add3A_105], %mul3A_102 : memref<30x435xf32, #tpu.memory_space<vmem>>[vector<16xi32>, vector<16xi32>], vector<16xf32>,
      %get3A_110 = arith.constant 48 : index
      %get3A_111 = tpu.vector_load %arg7[%get3A_110] {strides = array<i32>} : memref<448xf32, #tpu.memory_space<vmem>>, vector<16xf32>,
      %mul3A_112 = arith.constant 5.000000e-01 : f32
      %mul3A_113 = vector.broadcast %mul3A_112 : f32 to vector<16xf32>
      %mul3A_114 = arith.mulf %get3A_111, %mul3A_113 : vector<16xf32>
      %add3A_115 = arith.constant 48 : i32
      %add3A_116 = vector.broadcast %add3A_115 : i32 to vector<16xi32>
      %add3A_117 = arith.addi %iota3A, %add3A_116 : vector<16xi32>
      %get3A_118 = arith.constant 48 : index
      %get3A_119 = tpu.vector_load %arg9[%get3A_118] {strides = array<i32>} : memref<448xi32, #tpu.memory_space<vmem>>, vector<16xi32>,
      %get3A_120 = arith.constant 48 : index
      %get3A_121 = tpu.vector_load %arg10[%get3A_120] {strides = array<i32>} : memref<448xi32, #tpu.memory_space<vmem>>, vector<16xi32>,
      tpu.vector_store_idx %arg11[%get3A_119, %add3A_117], %mul3A_114 : memref<30x435xf32, #tpu.memory_space<vmem>>[vector<16xi32>, vector<16xi32>], vector<16xf32>,
      tpu.vector_store_idx %arg11[%get3A_121, %add3A_117], %mul3A_114 : memref<30x435xf32, #tpu.memory_space<vmem>>[vector<16xi32>, vector<16xi32>], vector<16xf32>,
      %get3A_122 = arith.constant 64 : index
      %get3A_123 = tpu.vector_load %arg7[%get3A_122] {strides = array<i32>} : memref<448xf32, #tpu.memory_space<vmem>>, vector<16xf32>,
      %mul3A_124 = arith.constant 5.000000e-01 : f32
      %mul3A_125 = vector.broadcast %mul3A_124 : f32 to vector<16xf32>
      %mul3A_126 = arith.mulf %get3A_123, %mul3A_125 : vector<16xf32>
      %add3A_127 = arith.constant 64 : i32
      %add3A_128 = vector.broadcast %add3A_127 : i32 to vector<16xi32>
      %add3A_129 = arith.addi %iota3A, %add3A_128 : vector<16xi32>
      %get3A_130 = arith.constant 64 : index
      %get3A_131 = tpu.vector_load %arg9[%get3A_130] {strides = array<i32>} : memref<448xi32, #tpu.memory_space<vmem>>, vector<16xi32>,
      %get3A_132 = arith.constant 64 : index
      %get3A_133 = tpu.vector_load %arg10[%get3A_132] {strides = array<i32>} : memref<448xi32, #tpu.memory_space<vmem>>, vector<16xi32>,
      tpu.vector_store_idx %arg11[%get3A_131, %add3A_129], %mul3A_126 : memref<30x435xf32, #tpu.memory_space<vmem>>[vector<16xi32>, vector<16xi32>], vector<16xf32>,
      tpu.vector_store_idx %arg11[%get3A_133, %add3A_129], %mul3A_126 : memref<30x435xf32, #tpu.memory_space<vmem>>[vector<16xi32>, vector<16xi32>], vector<16xf32>,
      %get3A_134 = arith.constant 80 : index
      %get3A_135 = tpu.vector_load %arg7[%get3A_134] {strides = array<i32>} : memref<448xf32, #tpu.memory_space<vmem>>, vector<16xf32>,
      %mul3A_136 = arith.constant 5.000000e-01 : f32
      %mul3A_137 = vector.broadcast %mul3A_136 : f32 to vector<16xf32>
      %mul3A_138 = arith.mulf %get3A_135, %mul3A_137 : vector<16xf32>
      %add3A_139 = arith.constant 80 : i32
      %add3A_140 = vector.broadcast %add3A_139 : i32 to vector<16xi32>
      %add3A_141 = arith.addi %iota3A, %add3A_140 : vector<16xi32>
      %get3A_142 = arith.constant 80 : index
      %get3A_143 = tpu.vector_load %arg9[%get3A_142] {strides = array<i32>} : memref<448xi32, #tpu.memory_space<vmem>>, vector<16xi32>,
      %get3A_144 = arith.constant 80 : index
      %get3A_145 = tpu.vector_load %arg10[%get3A_144] {strides = array<i32>} : memref<448xi32, #tpu.memory_space<vmem>>, vector<16xi32>,
      tpu.vector_store_idx %arg11[%get3A_143, %add3A_141], %mul3A_138 : memref<30x435xf32, #tpu.memory_space<vmem>>[vector<16xi32>, vector<16xi32>], vector<16xf32>,
      tpu.vector_store_idx %arg11[%get3A_145, %add3A_141], %mul3A_138 : memref<30x435xf32, #tpu.memory_space<vmem>>[vector<16xi32>, vector<16xi32>], vector<16xf32>,
      %get3A_146 = arith.constant 96 : index
      %get3A_147 = tpu.vector_load %arg7[%get3A_146] {strides = array<i32>} : memref<448xf32, #tpu.memory_space<vmem>>, vector<16xf32>,
      %mul3A_148 = arith.constant 5.000000e-01 : f32
      %mul3A_149 = vector.broadcast %mul3A_148 : f32 to vector<16xf32>
      %mul3A_150 = arith.mulf %get3A_147, %mul3A_149 : vector<16xf32>
      %add3A_151 = arith.constant 96 : i32
      %add3A_152 = vector.broadcast %add3A_151 : i32 to vector<16xi32>
      %add3A_153 = arith.addi %iota3A, %add3A_152 : vector<16xi32>
      %get3A_154 = arith.constant 96 : index
      %get3A_155 = tpu.vector_load %arg9[%get3A_154] {strides = array<i32>} : memref<448xi32, #tpu.memory_space<vmem>>, vector<16xi32>,
      %get3A_156 = arith.constant 96 : index
      %get3A_157 = tpu.vector_load %arg10[%get3A_156] {strides = array<i32>} : memref<448xi32, #tpu.memory_space<vmem>>, vector<16xi32>,
      tpu.vector_store_idx %arg11[%get3A_155, %add3A_153], %mul3A_150 : memref<30x435xf32, #tpu.memory_space<vmem>>[vector<16xi32>, vector<16xi32>], vector<16xf32>,
      tpu.vector_store_idx %arg11[%get3A_157, %add3A_153], %mul3A_150 : memref<30x435xf32, #tpu.memory_space<vmem>>[vector<16xi32>, vector<16xi32>], vector<16xf32>,
      %get3A_158 = arith.constant 112 : index
      %get3A_159 = tpu.vector_load %arg7[%get3A_158] {strides = array<i32>} : memref<448xf32, #tpu.memory_space<vmem>>, vector<16xf32>,
      %mul3A_160 = arith.constant 5.000000e-01 : f32
      %mul3A_161 = vector.broadcast %mul3A_160 : f32 to vector<16xf32>
      %mul3A_162 = arith.mulf %get3A_159, %mul3A_161 : vector<16xf32>
      %add3A_163 = arith.constant 112 : i32
      %add3A_164 = vector.broadcast %add3A_163 : i32 to vector<16xi32>
      %add3A_165 = arith.addi %iota3A, %add3A_164 : vector<16xi32>
      %get3A_166 = arith.constant 112 : index
      %get3A_167 = tpu.vector_load %arg9[%get3A_166] {strides = array<i32>} : memref<448xi32, #tpu.memory_space<vmem>>, vector<16xi32>,
      %get3A_168 = arith.constant 112 : index
      %get3A_169 = tpu.vector_load %arg10[%get3A_168] {strides = array<i32>} : memref<448xi32, #tpu.memory_space<vmem>>, vector<16xi32>,
      tpu.vector_store_idx %arg11[%get3A_167, %add3A_165], %mul3A_162 : memref<30x435xf32, #tpu.memory_space<vmem>>[vector<16xi32>, vector<16xi32>], vector<16xf32>,
      tpu.vector_store_idx %arg11[%get3A_169, %add3A_165], %mul3A_162 : memref<30x435xf32, #tpu.memory_space<vmem>>[vector<16xi32>, vector<16xi32>], vector<16xf32>,
      %get3A_170 = arith.constant 128 : index
      %get3A_171 = tpu.vector_load %arg7[%get3A_170] {strides = array<i32>} : memref<448xf32, #tpu.memory_space<vmem>>, vector<16xf32>,
      %mul3A_172 = arith.constant 5.000000e-01 : f32
      %mul3A_173 = vector.broadcast %mul3A_172 : f32 to vector<16xf32>
      %mul3A_174 = arith.mulf %get3A_171, %mul3A_173 : vector<16xf32>
      %add3A_175 = arith.constant 128 : i32
      %add3A_176 = vector.broadcast %add3A_175 : i32 to vector<16xi32>
      %add3A_177 = arith.addi %iota3A, %add3A_176 : vector<16xi32>
      %get3A_178 = arith.constant 128 : index
      %get3A_179 = tpu.vector_load %arg9[%get3A_178] {strides = array<i32>} : memref<448xi32, #tpu.memory_space<vmem>>, vector<16xi32>,
      %get3A_180 = arith.constant 128 : index
      %get3A_181 = tpu.vector_load %arg10[%get3A_180] {strides = array<i32>} : memref<448xi32, #tpu.memory_space<vmem>>, vector<16xi32>,
      tpu.vector_store_idx %arg11[%get3A_179, %add3A_177], %mul3A_174 : memref<30x435xf32, #tpu.memory_space<vmem>>[vector<16xi32>, vector<16xi32>], vector<16xf32>,
      tpu.vector_store_idx %arg11[%get3A_181, %add3A_177], %mul3A_174 : memref<30x435xf32, #tpu.memory_space<vmem>>[vector<16xi32>, vector<16xi32>], vector<16xf32>,
      %get3A_182 = arith.constant 144 : index
      %get3A_183 = tpu.vector_load %arg7[%get3A_182] {strides = array<i32>} : memref<448xf32, #tpu.memory_space<vmem>>, vector<16xf32>,
      %mul3A_184 = arith.constant 5.000000e-01 : f32
      %mul3A_185 = vector.broadcast %mul3A_184 : f32 to vector<16xf32>
      %mul3A_186 = arith.mulf %get3A_183, %mul3A_185 : vector<16xf32>
      %add3A_187 = arith.constant 144 : i32
      %add3A_188 = vector.broadcast %add3A_187 : i32 to vector<16xi32>
      %add3A_189 = arith.addi %iota3A, %add3A_188 : vector<16xi32>
      %get3A_190 = arith.constant 144 : index
      %get3A_191 = tpu.vector_load %arg9[%get3A_190] {strides = array<i32>} : memref<448xi32, #tpu.memory_space<vmem>>, vector<16xi32>,
      %get3A_192 = arith.constant 144 : index
      %get3A_193 = tpu.vector_load %arg10[%get3A_192] {strides = array<i32>} : memref<448xi32, #tpu.memory_space<vmem>>, vector<16xi32>,
      tpu.vector_store_idx %arg11[%get3A_191, %add3A_189], %mul3A_186 : memref<30x435xf32, #tpu.memory_space<vmem>>[vector<16xi32>, vector<16xi32>], vector<16xf32>,
      tpu.vector_store_idx %arg11[%get3A_193, %add3A_189], %mul3A_186 : memref<30x435xf32, #tpu.memory_space<vmem>>[vector<16xi32>, vector<16xi32>], vector<16xf32>,
      %get3A_194 = arith.constant 160 : index
      %get3A_195 = tpu.vector_load %arg7[%get3A_194] {strides = array<i32>} : memref<448xf32, #tpu.memory_space<vmem>>, vector<16xf32>,
      %mul3A_196 = arith.constant 5.000000e-01 : f32
      %mul3A_197 = vector.broadcast %mul3A_196 : f32 to vector<16xf32>
      %mul3A_198 = arith.mulf %get3A_195, %mul3A_197 : vector<16xf32>
      %add3A_199 = arith.constant 160 : i32
      %add3A_200 = vector.broadcast %add3A_199 : i32 to vector<16xi32>
      %add3A_201 = arith.addi %iota3A, %add3A_200 : vector<16xi32>
      %get3A_202 = arith.constant 160 : index
      %get3A_203 = tpu.vector_load %arg9[%get3A_202] {strides = array<i32>} : memref<448xi32, #tpu.memory_space<vmem>>, vector<16xi32>,
      %get3A_204 = arith.constant 160 : index
      %get3A_205 = tpu.vector_load %arg10[%get3A_204] {strides = array<i32>} : memref<448xi32, #tpu.memory_space<vmem>>, vector<16xi32>,
      tpu.vector_store_idx %arg11[%get3A_203, %add3A_201], %mul3A_198 : memref<30x435xf32, #tpu.memory_space<vmem>>[vector<16xi32>, vector<16xi32>], vector<16xf32>,
      tpu.vector_store_idx %arg11[%get3A_205, %add3A_201], %mul3A_198 : memref<30x435xf32, #tpu.memory_space<vmem>>[vector<16xi32>, vector<16xi32>], vector<16xf32>,
      %get3A_206 = arith.constant 176 : index
      %get3A_207 = tpu.vector_load %arg7[%get3A_206] {strides = array<i32>} : memref<448xf32, #tpu.memory_space<vmem>>, vector<16xf32>,
      %mul3A_208 = arith.constant 5.000000e-01 : f32
      %mul3A_209 = vector.broadcast %mul3A_208 : f32 to vector<16xf32>
      %mul3A_210 = arith.mulf %get3A_207, %mul3A_209 : vector<16xf32>
      %add3A_211 = arith.constant 176 : i32
      %add3A_212 = vector.broadcast %add3A_211 : i32 to vector<16xi32>
      %add3A_213 = arith.addi %iota3A, %add3A_212 : vector<16xi32>
      %get3A_214 = arith.constant 176 : index
      %get3A_215 = tpu.vector_load %arg9[%get3A_214] {strides = array<i32>} : memref<448xi32, #tpu.memory_space<vmem>>, vector<16xi32>,
      %get3A_216 = arith.constant 176 : index
      %get3A_217 = tpu.vector_load %arg10[%get3A_216] {strides = array<i32>} : memref<448xi32, #tpu.memory_space<vmem>>, vector<16xi32>,
      tpu.vector_store_idx %arg11[%get3A_215, %add3A_213], %mul3A_210 : memref<30x435xf32, #tpu.memory_space<vmem>>[vector<16xi32>, vector<16xi32>], vector<16xf32>,
      tpu.vector_store_idx %arg11[%get3A_217, %add3A_213], %mul3A_210 : memref<30x435xf32, #tpu.memory_space<vmem>>[vector<16xi32>, vector<16xi32>], vector<16xf32>,
      %get3A_218 = arith.constant 192 : index
      %get3A_219 = tpu.vector_load %arg7[%get3A_218] {strides = array<i32>} : memref<448xf32, #tpu.memory_space<vmem>>, vector<16xf32>,
      %mul3A_220 = arith.constant 5.000000e-01 : f32
      %mul3A_221 = vector.broadcast %mul3A_220 : f32 to vector<16xf32>
      %mul3A_222 = arith.mulf %get3A_219, %mul3A_221 : vector<16xf32>
      %add3A_223 = arith.constant 192 : i32
      %add3A_224 = vector.broadcast %add3A_223 : i32 to vector<16xi32>
      %add3A_225 = arith.addi %iota3A, %add3A_224 : vector<16xi32>
      %get3A_226 = arith.constant 192 : index
      %get3A_227 = tpu.vector_load %arg9[%get3A_226] {strides = array<i32>} : memref<448xi32, #tpu.memory_space<vmem>>, vector<16xi32>,
      %get3A_228 = arith.constant 192 : index
      %get3A_229 = tpu.vector_load %arg10[%get3A_228] {strides = array<i32>} : memref<448xi32, #tpu.memory_space<vmem>>, vector<16xi32>,
      tpu.vector_store_idx %arg11[%get3A_227, %add3A_225], %mul3A_222 : memref<30x435xf32, #tpu.memory_space<vmem>>[vector<16xi32>, vector<16xi32>], vector<16xf32>,
      tpu.vector_store_idx %arg11[%get3A_229, %add3A_225], %mul3A_222 : memref<30x435xf32, #tpu.memory_space<vmem>>[vector<16xi32>, vector<16xi32>], vector<16xf32>,
      %get3A_230 = arith.constant 208 : index
      %get3A_231 = tpu.vector_load %arg7[%get3A_230] {strides = array<i32>} : memref<448xf32, #tpu.memory_space<vmem>>, vector<16xf32>,
      %mul3A_232 = arith.constant 5.000000e-01 : f32
      %mul3A_233 = vector.broadcast %mul3A_232 : f32 to vector<16xf32>
      %mul3A_234 = arith.mulf %get3A_231, %mul3A_233 : vector<16xf32>
      %add3A_235 = arith.constant 208 : i32
      %add3A_236 = vector.broadcast %add3A_235 : i32 to vector<16xi32>
      %add3A_237 = arith.addi %iota3A, %add3A_236 : vector<16xi32>
      %get3A_238 = arith.constant 208 : index
      %get3A_239 = tpu.vector_load %arg9[%get3A_238] {strides = array<i32>} : memref<448xi32, #tpu.memory_space<vmem>>, vector<16xi32>,
      %get3A_240 = arith.constant 208 : index
      %get3A_241 = tpu.vector_load %arg10[%get3A_240] {strides = array<i32>} : memref<448xi32, #tpu.memory_space<vmem>>, vector<16xi32>,
      tpu.vector_store_idx %arg11[%get3A_239, %add3A_237], %mul3A_234 : memref<30x435xf32, #tpu.memory_space<vmem>>[vector<16xi32>, vector<16xi32>], vector<16xf32>,
      tpu.vector_store_idx %arg11[%get3A_241, %add3A_237], %mul3A_234 : memref<30x435xf32, #tpu.memory_space<vmem>>[vector<16xi32>, vector<16xi32>], vector<16xf32>,
      %get3A_242 = arith.constant 224 : index
      %get3A_243 = tpu.vector_load %arg7[%get3A_242] {strides = array<i32>} : memref<448xf32, #tpu.memory_space<vmem>>, vector<16xf32>,
      %mul3A_244 = arith.constant 5.000000e-01 : f32
      %mul3A_245 = vector.broadcast %mul3A_244 : f32 to vector<16xf32>
      %mul3A_246 = arith.mulf %get3A_243, %mul3A_245 : vector<16xf32>
      %add3A_247 = arith.constant 224 : i32
      %add3A_248 = vector.broadcast %add3A_247 : i32 to vector<16xi32>
      %add3A_249 = arith.addi %iota3A, %add3A_248 : vector<16xi32>
      %get3A_250 = arith.constant 224 : index
      %get3A_251 = tpu.vector_load %arg9[%get3A_250] {strides = array<i32>} : memref<448xi32, #tpu.memory_space<vmem>>, vector<16xi32>,
      %get3A_252 = arith.constant 224 : index
      %get3A_253 = tpu.vector_load %arg10[%get3A_252] {strides = array<i32>} : memref<448xi32, #tpu.memory_space<vmem>>, vector<16xi32>,
      tpu.vector_store_idx %arg11[%get3A_251, %add3A_249], %mul3A_246 : memref<30x435xf32, #tpu.memory_space<vmem>>[vector<16xi32>, vector<16xi32>], vector<16xf32>,
      tpu.vector_store_idx %arg11[%get3A_253, %add3A_249], %mul3A_246 : memref<30x435xf32, #tpu.memory_space<vmem>>[vector<16xi32>, vector<16xi32>], vector<16xf32>,
      %get3A_254 = arith.constant 240 : index
      %get3A_255 = tpu.vector_load %arg7[%get3A_254] {strides = array<i32>} : memref<448xf32, #tpu.memory_space<vmem>>, vector<16xf32>,
      %mul3A_256 = arith.constant 5.000000e-01 : f32
      %mul3A_257 = vector.broadcast %mul3A_256 : f32 to vector<16xf32>
      %mul3A_258 = arith.mulf %get3A_255, %mul3A_257 : vector<16xf32>
      %add3A_259 = arith.constant 240 : i32
      %add3A_260 = vector.broadcast %add3A_259 : i32 to vector<16xi32>
      %add3A_261 = arith.addi %iota3A, %add3A_260 : vector<16xi32>
      %get3A_262 = arith.constant 240 : index
      %get3A_263 = tpu.vector_load %arg9[%get3A_262] {strides = array<i32>} : memref<448xi32, #tpu.memory_space<vmem>>, vector<16xi32>,
      %get3A_264 = arith.constant 240 : index
      %get3A_265 = tpu.vector_load %arg10[%get3A_264] {strides = array<i32>} : memref<448xi32, #tpu.memory_space<vmem>>, vector<16xi32>,
      tpu.vector_store_idx %arg11[%get3A_263, %add3A_261], %mul3A_258 : memref<30x435xf32, #tpu.memory_space<vmem>>[vector<16xi32>, vector<16xi32>], vector<16xf32>,
      tpu.vector_store_idx %arg11[%get3A_265, %add3A_261], %mul3A_258 : memref<30x435xf32, #tpu.memory_space<vmem>>[vector<16xi32>, vector<16xi32>], vector<16xf32>,
      %get3A_266 = arith.constant 256 : index
      %get3A_267 = tpu.vector_load %arg7[%get3A_266] {strides = array<i32>} : memref<448xf32, #tpu.memory_space<vmem>>, vector<16xf32>,
      %mul3A_268 = arith.constant 5.000000e-01 : f32
      %mul3A_269 = vector.broadcast %mul3A_268 : f32 to vector<16xf32>
      %mul3A_270 = arith.mulf %get3A_267, %mul3A_269 : vector<16xf32>
      %add3A_271 = arith.constant 256 : i32
      %add3A_272 = vector.broadcast %add3A_271 : i32 to vector<16xi32>
      %add3A_273 = arith.addi %iota3A, %add3A_272 : vector<16xi32>
      %get3A_274 = arith.constant 256 : index
      %get3A_275 = tpu.vector_load %arg9[%get3A_274] {strides = array<i32>} : memref<448xi32, #tpu.memory_space<vmem>>, vector<16xi32>,
      %get3A_276 = arith.constant 256 : index
      %get3A_277 = tpu.vector_load %arg10[%get3A_276] {strides = array<i32>} : memref<448xi32, #tpu.memory_space<vmem>>, vector<16xi32>,
      tpu.vector_store_idx %arg11[%get3A_275, %add3A_273], %mul3A_270 : memref<30x435xf32, #tpu.memory_space<vmem>>[vector<16xi32>, vector<16xi32>], vector<16xf32>,
      tpu.vector_store_idx %arg11[%get3A_277, %add3A_273], %mul3A_270 : memref<30x435xf32, #tpu.memory_space<vmem>>[vector<16xi32>, vector<16xi32>], vector<16xf32>,
      %get3A_278 = arith.constant 272 : index
      %get3A_279 = tpu.vector_load %arg7[%get3A_278] {strides = array<i32>} : memref<448xf32, #tpu.memory_space<vmem>>, vector<16xf32>,
      %mul3A_280 = arith.constant 5.000000e-01 : f32
      %mul3A_281 = vector.broadcast %mul3A_280 : f32 to vector<16xf32>
      %mul3A_282 = arith.mulf %get3A_279, %mul3A_281 : vector<16xf32>
      %add3A_283 = arith.constant 272 : i32
      %add3A_284 = vector.broadcast %add3A_283 : i32 to vector<16xi32>
      %add3A_285 = arith.addi %iota3A, %add3A_284 : vector<16xi32>
      %get3A_286 = arith.constant 272 : index
      %get3A_287 = tpu.vector_load %arg9[%get3A_286] {strides = array<i32>} : memref<448xi32, #tpu.memory_space<vmem>>, vector<16xi32>,
      %get3A_288 = arith.constant 272 : index
      %get3A_289 = tpu.vector_load %arg10[%get3A_288] {strides = array<i32>} : memref<448xi32, #tpu.memory_space<vmem>>, vector<16xi32>,
      tpu.vector_store_idx %arg11[%get3A_287, %add3A_285], %mul3A_282 : memref<30x435xf32, #tpu.memory_space<vmem>>[vector<16xi32>, vector<16xi32>], vector<16xf32>,
      tpu.vector_store_idx %arg11[%get3A_289, %add3A_285], %mul3A_282 : memref<30x435xf32, #tpu.memory_space<vmem>>[vector<16xi32>, vector<16xi32>], vector<16xf32>,
      %get3A_290 = arith.constant 288 : index
      %get3A_291 = tpu.vector_load %arg7[%get3A_290] {strides = array<i32>} : memref<448xf32, #tpu.memory_space<vmem>>, vector<16xf32>,
      %mul3A_292 = arith.constant 5.000000e-01 : f32
      %mul3A_293 = vector.broadcast %mul3A_292 : f32 to vector<16xf32>
      %mul3A_294 = arith.mulf %get3A_291, %mul3A_293 : vector<16xf32>
      %add3A_295 = arith.constant 288 : i32
      %add3A_296 = vector.broadcast %add3A_295 : i32 to vector<16xi32>
      %add3A_297 = arith.addi %iota3A, %add3A_296 : vector<16xi32>
      %get3A_298 = arith.constant 288 : index
      %get3A_299 = tpu.vector_load %arg9[%get3A_298] {strides = array<i32>} : memref<448xi32, #tpu.memory_space<vmem>>, vector<16xi32>,
      %get3A_300 = arith.constant 288 : index
      %get3A_301 = tpu.vector_load %arg10[%get3A_300] {strides = array<i32>} : memref<448xi32, #tpu.memory_space<vmem>>, vector<16xi32>,
      tpu.vector_store_idx %arg11[%get3A_299, %add3A_297], %mul3A_294 : memref<30x435xf32, #tpu.memory_space<vmem>>[vector<16xi32>, vector<16xi32>], vector<16xf32>,
      tpu.vector_store_idx %arg11[%get3A_301, %add3A_297], %mul3A_294 : memref<30x435xf32, #tpu.memory_space<vmem>>[vector<16xi32>, vector<16xi32>], vector<16xf32>,
      %get3A_302 = arith.constant 304 : index
      %get3A_303 = tpu.vector_load %arg7[%get3A_302] {strides = array<i32>} : memref<448xf32, #tpu.memory_space<vmem>>, vector<16xf32>,
      %mul3A_304 = arith.constant 5.000000e-01 : f32
      %mul3A_305 = vector.broadcast %mul3A_304 : f32 to vector<16xf32>
      %mul3A_306 = arith.mulf %get3A_303, %mul3A_305 : vector<16xf32>
      %add3A_307 = arith.constant 304 : i32
      %add3A_308 = vector.broadcast %add3A_307 : i32 to vector<16xi32>
      %add3A_309 = arith.addi %iota3A, %add3A_308 : vector<16xi32>
      %get3A_310 = arith.constant 304 : index
      %get3A_311 = tpu.vector_load %arg9[%get3A_310] {strides = array<i32>} : memref<448xi32, #tpu.memory_space<vmem>>, vector<16xi32>,
      %get3A_312 = arith.constant 304 : index
      %get3A_313 = tpu.vector_load %arg10[%get3A_312] {strides = array<i32>} : memref<448xi32, #tpu.memory_space<vmem>>, vector<16xi32>,
      tpu.vector_store_idx %arg11[%get3A_311, %add3A_309], %mul3A_306 : memref<30x435xf32, #tpu.memory_space<vmem>>[vector<16xi32>, vector<16xi32>], vector<16xf32>,
      tpu.vector_store_idx %arg11[%get3A_313, %add3A_309], %mul3A_306 : memref<30x435xf32, #tpu.memory_space<vmem>>[vector<16xi32>, vector<16xi32>], vector<16xf32>,
      %get3A_314 = arith.constant 320 : index
      %get3A_315 = tpu.vector_load %arg7[%get3A_314] {strides = array<i32>} : memref<448xf32, #tpu.memory_space<vmem>>, vector<16xf32>,
      %mul3A_316 = arith.constant 5.000000e-01 : f32
      %mul3A_317 = vector.broadcast %mul3A_316 : f32 to vector<16xf32>
      %mul3A_318 = arith.mulf %get3A_315, %mul3A_317 : vector<16xf32>
      %add3A_319 = arith.constant 320 : i32
      %add3A_320 = vector.broadcast %add3A_319 : i32 to vector<16xi32>
      %add3A_321 = arith.addi %iota3A, %add3A_320 : vector<16xi32>
      %get3A_322 = arith.constant 320 : index
      %get3A_323 = tpu.vector_load %arg9[%get3A_322] {strides = array<i32>} : memref<448xi32, #tpu.memory_space<vmem>>, vector<16xi32>,
      %get3A_324 = arith.constant 320 : index
      %get3A_325 = tpu.vector_load %arg10[%get3A_324] {strides = array<i32>} : memref<448xi32, #tpu.memory_space<vmem>>, vector<16xi32>,
      tpu.vector_store_idx %arg11[%get3A_323, %add3A_321], %mul3A_318 : memref<30x435xf32, #tpu.memory_space<vmem>>[vector<16xi32>, vector<16xi32>], vector<16xf32>,
      tpu.vector_store_idx %arg11[%get3A_325, %add3A_321], %mul3A_318 : memref<30x435xf32, #tpu.memory_space<vmem>>[vector<16xi32>, vector<16xi32>], vector<16xf32>,
      %get3A_326 = arith.constant 336 : index
      %get3A_327 = tpu.vector_load %arg7[%get3A_326] {strides = array<i32>} : memref<448xf32, #tpu.memory_space<vmem>>, vector<16xf32>,
      %mul3A_328 = arith.constant 5.000000e-01 : f32
      %mul3A_329 = vector.broadcast %mul3A_328 : f32 to vector<16xf32>
      %mul3A_330 = arith.mulf %get3A_327, %mul3A_329 : vector<16xf32>
      %add3A_331 = arith.constant 336 : i32
      %add3A_332 = vector.broadcast %add3A_331 : i32 to vector<16xi32>
      %add3A_333 = arith.addi %iota3A, %add3A_332 : vector<16xi32>
      %get3A_334 = arith.constant 336 : index
      %get3A_335 = tpu.vector_load %arg9[%get3A_334] {strides = array<i32>} : memref<448xi32, #tpu.memory_space<vmem>>, vector<16xi32>,
      %get3A_336 = arith.constant 336 : index
      %get3A_337 = tpu.vector_load %arg10[%get3A_336] {strides = array<i32>} : memref<448xi32, #tpu.memory_space<vmem>>, vector<16xi32>,
      tpu.vector_store_idx %arg11[%get3A_335, %add3A_333], %mul3A_330 : memref<30x435xf32, #tpu.memory_space<vmem>>[vector<16xi32>, vector<16xi32>], vector<16xf32>,
      tpu.vector_store_idx %arg11[%get3A_337, %add3A_333], %mul3A_330 : memref<30x435xf32, #tpu.memory_space<vmem>>[vector<16xi32>, vector<16xi32>], vector<16xf32>,
      %get3A_338 = arith.constant 352 : index
      %get3A_339 = tpu.vector_load %arg7[%get3A_338] {strides = array<i32>} : memref<448xf32, #tpu.memory_space<vmem>>, vector<16xf32>,
      %mul3A_340 = arith.constant 5.000000e-01 : f32
      %mul3A_341 = vector.broadcast %mul3A_340 : f32 to vector<16xf32>
      %mul3A_342 = arith.mulf %get3A_339, %mul3A_341 : vector<16xf32>
      %add3A_343 = arith.constant 352 : i32
      %add3A_344 = vector.broadcast %add3A_343 : i32 to vector<16xi32>
      %add3A_345 = arith.addi %iota3A, %add3A_344 : vector<16xi32>
      %get3A_346 = arith.constant 352 : index
      %get3A_347 = tpu.vector_load %arg9[%get3A_346] {strides = array<i32>} : memref<448xi32, #tpu.memory_space<vmem>>, vector<16xi32>,
      %get3A_348 = arith.constant 352 : index
      %get3A_349 = tpu.vector_load %arg10[%get3A_348] {strides = array<i32>} : memref<448xi32, #tpu.memory_space<vmem>>, vector<16xi32>,
      tpu.vector_store_idx %arg11[%get3A_347, %add3A_345], %mul3A_342 : memref<30x435xf32, #tpu.memory_space<vmem>>[vector<16xi32>, vector<16xi32>], vector<16xf32>,
      tpu.vector_store_idx %arg11[%get3A_349, %add3A_345], %mul3A_342 : memref<30x435xf32, #tpu.memory_space<vmem>>[vector<16xi32>, vector<16xi32>], vector<16xf32>,
      %get3A_350 = arith.constant 368 : index
      %get3A_351 = tpu.vector_load %arg7[%get3A_350] {strides = array<i32>} : memref<448xf32, #tpu.memory_space<vmem>>, vector<16xf32>,
      %mul3A_352 = arith.constant 5.000000e-01 : f32
      %mul3A_353 = vector.broadcast %mul3A_352 : f32 to vector<16xf32>
      %mul3A_354 = arith.mulf %get3A_351, %mul3A_353 : vector<16xf32>
      %add3A_355 = arith.constant 368 : i32
      %add3A_356 = vector.broadcast %add3A_355 : i32 to vector<16xi32>
      %add3A_357 = arith.addi %iota3A, %add3A_356 : vector<16xi32>
      %get3A_358 = arith.constant 368 : index
      %get3A_359 = tpu.vector_load %arg9[%get3A_358] {strides = array<i32>} : memref<448xi32, #tpu.memory_space<vmem>>, vector<16xi32>,
      %get3A_360 = arith.constant 368 : index
      %get3A_361 = tpu.vector_load %arg10[%get3A_360] {strides = array<i32>} : memref<448xi32, #tpu.memory_space<vmem>>, vector<16xi32>,
      tpu.vector_store_idx %arg11[%get3A_359, %add3A_357], %mul3A_354 : memref<30x435xf32, #tpu.memory_space<vmem>>[vector<16xi32>, vector<16xi32>], vector<16xf32>,
      tpu.vector_store_idx %arg11[%get3A_361, %add3A_357], %mul3A_354 : memref<30x435xf32, #tpu.memory_space<vmem>>[vector<16xi32>, vector<16xi32>], vector<16xf32>,
      %get3A_362 = arith.constant 384 : index
      %get3A_363 = tpu.vector_load %arg7[%get3A_362] {strides = array<i32>} : memref<448xf32, #tpu.memory_space<vmem>>, vector<16xf32>,
      %mul3A_364 = arith.constant 5.000000e-01 : f32
      %mul3A_365 = vector.broadcast %mul3A_364 : f32 to vector<16xf32>
      %mul3A_366 = arith.mulf %get3A_363, %mul3A_365 : vector<16xf32>
      %add3A_367 = arith.constant 384 : i32
      %add3A_368 = vector.broadcast %add3A_367 : i32 to vector<16xi32>
      %add3A_369 = arith.addi %iota3A, %add3A_368 : vector<16xi32>
      %get3A_370 = arith.constant 384 : index
      %get3A_371 = tpu.vector_load %arg9[%get3A_370] {strides = array<i32>} : memref<448xi32, #tpu.memory_space<vmem>>, vector<16xi32>,
      %get3A_372 = arith.constant 384 : index
      %get3A_373 = tpu.vector_load %arg10[%get3A_372] {strides = array<i32>} : memref<448xi32, #tpu.memory_space<vmem>>, vector<16xi32>,
      tpu.vector_store_idx %arg11[%get3A_371, %add3A_369], %mul3A_366 : memref<30x435xf32, #tpu.memory_space<vmem>>[vector<16xi32>, vector<16xi32>], vector<16xf32>,
      tpu.vector_store_idx %arg11[%get3A_373, %add3A_369], %mul3A_366 : memref<30x435xf32, #tpu.memory_space<vmem>>[vector<16xi32>, vector<16xi32>], vector<16xf32>,
      %get3A_374 = arith.constant 400 : index
      %get3A_375 = tpu.vector_load %arg7[%get3A_374] {strides = array<i32>} : memref<448xf32, #tpu.memory_space<vmem>>, vector<16xf32>,
      %mul3A_376 = arith.constant 5.000000e-01 : f32
      %mul3A_377 = vector.broadcast %mul3A_376 : f32 to vector<16xf32>
      %mul3A_378 = arith.mulf %get3A_375, %mul3A_377 : vector<16xf32>
      %add3A_379 = arith.constant 400 : i32
      %add3A_380 = vector.broadcast %add3A_379 : i32 to vector<16xi32>
      %add3A_381 = arith.addi %iota3A, %add3A_380 : vector<16xi32>
      %get3A_382 = arith.constant 400 : index
      %get3A_383 = tpu.vector_load %arg9[%get3A_382] {strides = array<i32>} : memref<448xi32, #tpu.memory_space<vmem>>, vector<16xi32>,
      %get3A_384 = arith.constant 400 : index
      %get3A_385 = tpu.vector_load %arg10[%get3A_384] {strides = array<i32>} : memref<448xi32, #tpu.memory_space<vmem>>, vector<16xi32>,
      tpu.vector_store_idx %arg11[%get3A_383, %add3A_381], %mul3A_378 : memref<30x435xf32, #tpu.memory_space<vmem>>[vector<16xi32>, vector<16xi32>], vector<16xf32>,
      tpu.vector_store_idx %arg11[%get3A_385, %add3A_381], %mul3A_378 : memref<30x435xf32, #tpu.memory_space<vmem>>[vector<16xi32>, vector<16xi32>], vector<16xf32>,
      %get3A_386 = arith.constant 416 : index
      %get3A_387 = tpu.vector_load %arg7[%get3A_386] {strides = array<i32>} : memref<448xf32, #tpu.memory_space<vmem>>, vector<16xf32>,
      %mul3A_388 = arith.constant 5.000000e-01 : f32
      %mul3A_389 = vector.broadcast %mul3A_388 : f32 to vector<16xf32>
      %mul3A_390 = arith.mulf %get3A_387, %mul3A_389 : vector<16xf32>
      %add3A_391 = arith.constant 416 : i32
      %add3A_392 = vector.broadcast %add3A_391 : i32 to vector<16xi32>
      %add3A_393 = arith.addi %iota3A, %add3A_392 : vector<16xi32>
      %get3A_394 = arith.constant 416 : index
      %get3A_395 = tpu.vector_load %arg9[%get3A_394] {strides = array<i32>} : memref<448xi32, #tpu.memory_space<vmem>>, vector<16xi32>,
      %get3A_396 = arith.constant 416 : index
      %get3A_397 = tpu.vector_load %arg10[%get3A_396] {strides = array<i32>} : memref<448xi32, #tpu.memory_space<vmem>>, vector<16xi32>,
      tpu.vector_store_idx %arg11[%get3A_395, %add3A_393], %mul3A_390 : memref<30x435xf32, #tpu.memory_space<vmem>>[vector<16xi32>, vector<16xi32>], vector<16xf32>,
      tpu.vector_store_idx %arg11[%get3A_397, %add3A_393], %mul3A_390 : memref<30x435xf32, #tpu.memory_space<vmem>>[vector<16xi32>, vector<16xi32>], vector<16xf32>,
      %get3A_398 = arith.constant 432 : index
      %get3A_399 = tpu.vector_load %arg7[%get3A_398] {strides = array<i32>} : memref<448xf32, #tpu.memory_space<vmem>>, vector<16xf32>,
      %mul3A_400 = arith.constant 5.000000e-01 : f32
      %mul3A_401 = vector.broadcast %mul3A_400 : f32 to vector<16xf32>
      %mul3A_402 = arith.mulf %get3A_399, %mul3A_401 : vector<16xf32>
      %add3A_403 = arith.constant 432 : i32
      %add3A_404 = vector.broadcast %add3A_403 : i32 to vector<16xi32>
      %add3A_405 = arith.addi %iota3A, %add3A_404 : vector<16xi32>
      %get3A_406 = arith.constant 432 : index
      %get3A_407 = tpu.vector_load %arg9[%get3A_406] {strides = array<i32>} : memref<448xi32, #tpu.memory_space<vmem>>, vector<16xi32>,
      %get3A_408 = arith.constant 432 : index
      %get3A_409 = tpu.vector_load %arg10[%get3A_408] {strides = array<i32>} : memref<448xi32, #tpu.memory_space<vmem>>, vector<16xi32>,
      %lt3A = arith.constant 3 : i32
      %lt3A_410 = vector.broadcast %lt3A : i32 to vector<16xi32>
      %lt3A_411 = arith.cmpi slt, %iota3A, %lt3A_410 : vector<16xi32>
      tpu.vector_store_idx %arg11[%get3A_407, %add3A_405], %mul3A_402 masked %lt3A_411 : memref<30x435xf32, #tpu.memory_space<vmem>>[vector<16xi32>, vector<16xi32>], vector<16xf32>, vector<16xi1>
      tpu.vector_store_idx %arg11[%get3A_409, %add3A_405], %mul3A_402 masked %lt3A_411 : memref<30x435xf32, #tpu.memory_space<vmem>>[vector<16xi32>, vector<16xi32>], vector<16xf32>, vector<16xi1>
      %lt3A_412 = arith.constant 63 : i32
      %lt3A_413 = arith.cmpi slt, %scan3A_57, %lt3A_412 : i32
      %convert_element_type3A_414 = arith.extui %lt3A_413 : i1 to i32
      %cond3A_415 = arith.constant 0 : i32
      %cond3A_416 = arith.cmpi ne, %convert_element_type3A_414, %cond3A_415 : i32
      scf.if %cond3A_416 {
        %add3A_798 = arith.constant 2 : i32
        %add3A_799 = arith.addi %add3A_62, %add3A_798 : i32
        %dma_start3A_800 = arith.constant 0 : i32
        %dma_start3A_801 = tpu.memref_slice %arg7[%dma_start3A_800] : memref<448xf32, #tpu.memory_space<vmem>> -> memref<435xf32, #tpu.memory_space<vmem>>
        %dma_start3A_802 = arith.constant 0 : i32
        %dma_start3A_803 = tpu.memref_slice %arg2[%add3A_799, %dma_start3A_802] : memref<4096x435xf32, #tpu.memory_space<hbm>> -> memref<1x435xf32, #tpu.memory_space<hbm>>
        %dma_start3A_804 = tpu.memref_squeeze %dma_start3A_803 : memref<1x435xf32, #tpu.memory_space<hbm>> -> memref<435xf32, #tpu.memory_space<hbm>>
        %dma_start3A_805 = arith.constant 0 : i32
        %dma_start3A_806 = tpu.memref_slice %arg7[%dma_start3A_805] : memref<448xf32, #tpu.memory_space<vmem>> -> memref<435xf32, #tpu.memory_space<vmem>>
        %dma_start3A_807 = arith.constant 0 : i32
        %dma_start3A_808 = tpu.memref_slice %arg2[%add3A_799, %dma_start3A_807] : memref<4096x435xf32, #tpu.memory_space<hbm>> -> memref<1x435xf32, #tpu.memory_space<hbm>>
        %dma_start3A_809 = tpu.memref_squeeze %dma_start3A_808 : memref<1x435xf32, #tpu.memory_space<hbm>> -> memref<435xf32, #tpu.memory_space<hbm>>
        tpu.enqueue_dma source(%dma_start3A_809 : memref<435xf32, #tpu.memory_space<hbm>>) target(%dma_start3A_806 : memref<435xf32, #tpu.memory_space<vmem>>) target_semaphore(%arg13 : memref<!tpu.dma_semaphore, #tpu.memory_space<semaphore_mem>>)
      } else {
      }
      %dma_start3A_417 = arith.constant 0 : i32
      %dma_start3A_418 = arith.constant 0 : i32
      %dma_start3A_419 = tpu.memref_slice %arg6[%add3A_62, %dma_start3A_417, %dma_start3A_418] : memref<4096x30x435xf32, #tpu.memory_space<hbm>> -> memref<1x30x435xf32, #tpu.memory_space<hbm>>
      %dma_start3A_420 = tpu.memref_squeeze %dma_start3A_419 : memref<1x30x435xf32, #tpu.memory_space<hbm>> -> memref<30x435xf32, #tpu.memory_space<hbm>>
      %dma_start3A_421 = arith.constant 0 : i32
      %dma_start3A_422 = arith.constant 0 : i32
      %dma_start3A_423 = tpu.memref_slice %arg6[%add3A_62, %dma_start3A_421, %dma_start3A_422] : memref<4096x30x435xf32, #tpu.memory_space<hbm>> -> memref<1x30x435xf32, #tpu.memory_space<hbm>>
      %dma_start3A_424 = tpu.memref_squeeze %dma_start3A_423 : memref<1x30x435xf32, #tpu.memory_space<hbm>> -> memref<30x435xf32, #tpu.memory_space<hbm>>
      tpu.enqueue_dma source(%arg11 : memref<30x435xf32, #tpu.memory_space<vmem>>) target(%dma_start3A_424 : memref<30x435xf32, #tpu.memory_space<hbm>>) target_semaphore(%arg15 : memref<!tpu.dma_semaphore, #tpu.memory_space<semaphore_mem>>)
      %mul3A_425 = arith.constant 2 : i32
      %mul3A_426 = arith.muli %scan3A_57, %mul3A_425 : i32
      %add3A_427 = arith.constant 1 : i32
      %add3A_428 = arith.addi %mul3A_426, %add3A_427 : i32
      %add3A_429 = arith.addi %mul3A_2, %add3A_428 : i32
      %ge3A_430 = arith.constant 1 : i32
      %ge3A_431 = arith.cmpi sge, %scan3A_57, %ge3A_430 : i32
      %convert_element_type3A_432 = arith.extui %ge3A_431 : i1 to i32
      %cond3A_433 = arith.constant 0 : i32
      %cond3A_434 = arith.cmpi ne, %convert_element_type3A_432, %cond3A_433 : i32
      scf.if %cond3A_434 {
        %dma_wait3A_798 = arith.constant 0 : i32
        %dma_wait3A_799 = arith.constant 0 : i32
        %dma_wait3A_800 = tpu.memref_slice %arg6[%add3A_429, %dma_wait3A_798, %dma_wait3A_799] : memref<4096x30x435xf32, #tpu.memory_space<hbm>> -> memref<1x30x435xf32, #tpu.memory_space<hbm>>
        %dma_wait3A_801 = tpu.memref_squeeze %dma_wait3A_800 : memref<1x30x435xf32, #tpu.memory_space<hbm>> -> memref<30x435xf32, #tpu.memory_space<hbm>>
        %dma_wait3A_802 = arith.constant 0 : i32
        %dma_wait3A_803 = arith.constant 0 : i32
        %dma_wait3A_804 = tpu.memref_slice %arg6[%add3A_429, %dma_wait3A_802, %dma_wait3A_803] : memref<4096x30x435xf32, #tpu.memory_space<hbm>> -> memref<1x30x435xf32, #tpu.memory_space<hbm>>
        %dma_wait3A_805 = tpu.memref_squeeze %dma_wait3A_804 : memref<1x30x435xf32, #tpu.memory_space<hbm>> -> memref<30x435xf32, #tpu.memory_space<hbm>>
        tpu.wait_dma2 semaphore(%arg16 : memref<!tpu.dma_semaphore, #tpu.memory_space<semaphore_mem>>) src(%arg12 : memref<30x435xf32, #tpu.memory_space<vmem>>) dst(%dma_wait3A_805 : memref<30x435xf32, #tpu.memory_space<hbm>>)
      } else {
      }
      %dma_wait3A_435 = arith.constant 0 : i32
      %dma_wait3A_436 = tpu.memref_slice %arg8[%dma_wait3A_435] : memref<448xf32, #tpu.memory_space<vmem>> -> memref<435xf32, #tpu.memory_space<vmem>>
      %dma_wait3A_437 = arith.constant 0 : i32
      %dma_wait3A_438 = tpu.memref_slice %arg2[%add3A_429, %dma_wait3A_437] : memref<4096x435xf32, #tpu.memory_space<hbm>> -> memref<1x435xf32, #tpu.memory_space<hbm>>
      %dma_wait3A_439 = tpu.memref_squeeze %dma_wait3A_438 : memref<1x435xf32, #tpu.memory_space<hbm>> -> memref<435xf32, #tpu.memory_space<hbm>>
      %dma_wait3A_440 = arith.constant 0 : i32
      %dma_wait3A_441 = tpu.memref_slice %arg8[%dma_wait3A_440] : memref<448xf32, #tpu.memory_space<vmem>> -> memref<435xf32, #tpu.memory_space<vmem>>
      %dma_wait3A_442 = arith.constant 0 : i32
      %dma_wait3A_443 = tpu.memref_slice %arg2[%add3A_429, %dma_wait3A_442] : memref<4096x435xf32, #tpu.memory_space<hbm>> -> memref<1x435xf32, #tpu.memory_space<hbm>>
      %dma_wait3A_444 = tpu.memref_squeeze %dma_wait3A_443 : memref<1x435xf32, #tpu.memory_space<hbm>> -> memref<435xf32, #tpu.memory_space<hbm>>
      tpu.wait_dma2 semaphore(%arg14 : memref<!tpu.dma_semaphore, #tpu.memory_space<semaphore_mem>>) src(%dma_wait3A_444 : memref<435xf32, #tpu.memory_space<hbm>>) dst(%dma_wait3A_441 : memref<435xf32, #tpu.memory_space<vmem>>)
      %iota3A_445 = tpu.iota {dimensions = array<i32: 0>} : vector<16xi32>
      %get3A_446 = arith.constant 0 : index
      %get3A_447 = tpu.vector_load %arg8[%get3A_446] {strides = array<i32>} : memref<448xf32, #tpu.memory_space<vmem>>, vector<16xf32>,
      %mul3A_448 = arith.constant 5.000000e-01 : f32
      %mul3A_449 = vector.broadcast %mul3A_448 : f32 to vector<16xf32>
      %mul3A_450 = arith.mulf %get3A_447, %mul3A_449 : vector<16xf32>
      %add3A_451 = arith.constant 0 : i32
      %add3A_452 = vector.broadcast %add3A_451 : i32 to vector<16xi32>
      %add3A_453 = arith.addi %iota3A_445, %add3A_452 : vector<16xi32>
      %get3A_454 = arith.constant 0 : index
      %get3A_455 = tpu.vector_load %arg9[%get3A_454] {strides = array<i32>} : memref<448xi32, #tpu.memory_space<vmem>>, vector<16xi32>,
      %get3A_456 = arith.constant 0 : index
      %get3A_457 = tpu.vector_load %arg10[%get3A_456] {strides = array<i32>} : memref<448xi32, #tpu.memory_space<vmem>>, vector<16xi32>,
      tpu.vector_store_idx %arg12[%get3A_455, %add3A_453], %mul3A_450 : memref<30x435xf32, #tpu.memory_space<vmem>>[vector<16xi32>, vector<16xi32>], vector<16xf32>,
      tpu.vector_store_idx %arg12[%get3A_457, %add3A_453], %mul3A_450 : memref<30x435xf32, #tpu.memory_space<vmem>>[vector<16xi32>, vector<16xi32>], vector<16xf32>,
      %get3A_458 = arith.constant 16 : index
      %get3A_459 = tpu.vector_load %arg8[%get3A_458] {strides = array<i32>} : memref<448xf32, #tpu.memory_space<vmem>>, vector<16xf32>,
      %mul3A_460 = arith.constant 5.000000e-01 : f32
      %mul3A_461 = vector.broadcast %mul3A_460 : f32 to vector<16xf32>
      %mul3A_462 = arith.mulf %get3A_459, %mul3A_461 : vector<16xf32>
      %add3A_463 = arith.constant 16 : i32
      %add3A_464 = vector.broadcast %add3A_463 : i32 to vector<16xi32>
      %add3A_465 = arith.addi %iota3A_445, %add3A_464 : vector<16xi32>
      %get3A_466 = arith.constant 16 : index
      %get3A_467 = tpu.vector_load %arg9[%get3A_466] {strides = array<i32>} : memref<448xi32, #tpu.memory_space<vmem>>, vector<16xi32>,
      %get3A_468 = arith.constant 16 : index
      %get3A_469 = tpu.vector_load %arg10[%get3A_468] {strides = array<i32>} : memref<448xi32, #tpu.memory_space<vmem>>, vector<16xi32>,
      tpu.vector_store_idx %arg12[%get3A_467, %add3A_465], %mul3A_462 : memref<30x435xf32, #tpu.memory_space<vmem>>[vector<16xi32>, vector<16xi32>], vector<16xf32>,
      tpu.vector_store_idx %arg12[%get3A_469, %add3A_465], %mul3A_462 : memref<30x435xf32, #tpu.memory_space<vmem>>[vector<16xi32>, vector<16xi32>], vector<16xf32>,
      %get3A_470 = arith.constant 32 : index
      %get3A_471 = tpu.vector_load %arg8[%get3A_470] {strides = array<i32>} : memref<448xf32, #tpu.memory_space<vmem>>, vector<16xf32>,
      %mul3A_472 = arith.constant 5.000000e-01 : f32
      %mul3A_473 = vector.broadcast %mul3A_472 : f32 to vector<16xf32>
      %mul3A_474 = arith.mulf %get3A_471, %mul3A_473 : vector<16xf32>
      %add3A_475 = arith.constant 32 : i32
      %add3A_476 = vector.broadcast %add3A_475 : i32 to vector<16xi32>
      %add3A_477 = arith.addi %iota3A_445, %add3A_476 : vector<16xi32>
      %get3A_478 = arith.constant 32 : index
      %get3A_479 = tpu.vector_load %arg9[%get3A_478] {strides = array<i32>} : memref<448xi32, #tpu.memory_space<vmem>>, vector<16xi32>,
      %get3A_480 = arith.constant 32 : index
      %get3A_481 = tpu.vector_load %arg10[%get3A_480] {strides = array<i32>} : memref<448xi32, #tpu.memory_space<vmem>>, vector<16xi32>,
      tpu.vector_store_idx %arg12[%get3A_479, %add3A_477], %mul3A_474 : memref<30x435xf32, #tpu.memory_space<vmem>>[vector<16xi32>, vector<16xi32>], vector<16xf32>,
      tpu.vector_store_idx %arg12[%get3A_481, %add3A_477], %mul3A_474 : memref<30x435xf32, #tpu.memory_space<vmem>>[vector<16xi32>, vector<16xi32>], vector<16xf32>,
      %get3A_482 = arith.constant 48 : index
      %get3A_483 = tpu.vector_load %arg8[%get3A_482] {strides = array<i32>} : memref<448xf32, #tpu.memory_space<vmem>>, vector<16xf32>,
      %mul3A_484 = arith.constant 5.000000e-01 : f32
      %mul3A_485 = vector.broadcast %mul3A_484 : f32 to vector<16xf32>
      %mul3A_486 = arith.mulf %get3A_483, %mul3A_485 : vector<16xf32>
      %add3A_487 = arith.constant 48 : i32
      %add3A_488 = vector.broadcast %add3A_487 : i32 to vector<16xi32>
      %add3A_489 = arith.addi %iota3A_445, %add3A_488 : vector<16xi32>
      %get3A_490 = arith.constant 48 : index
      %get3A_491 = tpu.vector_load %arg9[%get3A_490] {strides = array<i32>} : memref<448xi32, #tpu.memory_space<vmem>>, vector<16xi32>,
      %get3A_492 = arith.constant 48 : index
      %get3A_493 = tpu.vector_load %arg10[%get3A_492] {strides = array<i32>} : memref<448xi32, #tpu.memory_space<vmem>>, vector<16xi32>,
      tpu.vector_store_idx %arg12[%get3A_491, %add3A_489], %mul3A_486 : memref<30x435xf32, #tpu.memory_space<vmem>>[vector<16xi32>, vector<16xi32>], vector<16xf32>,
      tpu.vector_store_idx %arg12[%get3A_493, %add3A_489], %mul3A_486 : memref<30x435xf32, #tpu.memory_space<vmem>>[vector<16xi32>, vector<16xi32>], vector<16xf32>,
      %get3A_494 = arith.constant 64 : index
      %get3A_495 = tpu.vector_load %arg8[%get3A_494] {strides = array<i32>} : memref<448xf32, #tpu.memory_space<vmem>>, vector<16xf32>,
      %mul3A_496 = arith.constant 5.000000e-01 : f32
      %mul3A_497 = vector.broadcast %mul3A_496 : f32 to vector<16xf32>
      %mul3A_498 = arith.mulf %get3A_495, %mul3A_497 : vector<16xf32>
      %add3A_499 = arith.constant 64 : i32
      %add3A_500 = vector.broadcast %add3A_499 : i32 to vector<16xi32>
      %add3A_501 = arith.addi %iota3A_445, %add3A_500 : vector<16xi32>
      %get3A_502 = arith.constant 64 : index
      %get3A_503 = tpu.vector_load %arg9[%get3A_502] {strides = array<i32>} : memref<448xi32, #tpu.memory_space<vmem>>, vector<16xi32>,
      %get3A_504 = arith.constant 64 : index
      %get3A_505 = tpu.vector_load %arg10[%get3A_504] {strides = array<i32>} : memref<448xi32, #tpu.memory_space<vmem>>, vector<16xi32>,
      tpu.vector_store_idx %arg12[%get3A_503, %add3A_501], %mul3A_498 : memref<30x435xf32, #tpu.memory_space<vmem>>[vector<16xi32>, vector<16xi32>], vector<16xf32>,
      tpu.vector_store_idx %arg12[%get3A_505, %add3A_501], %mul3A_498 : memref<30x435xf32, #tpu.memory_space<vmem>>[vector<16xi32>, vector<16xi32>], vector<16xf32>,
      %get3A_506 = arith.constant 80 : index
      %get3A_507 = tpu.vector_load %arg8[%get3A_506] {strides = array<i32>} : memref<448xf32, #tpu.memory_space<vmem>>, vector<16xf32>,
      %mul3A_508 = arith.constant 5.000000e-01 : f32
      %mul3A_509 = vector.broadcast %mul3A_508 : f32 to vector<16xf32>
      %mul3A_510 = arith.mulf %get3A_507, %mul3A_509 : vector<16xf32>
      %add3A_511 = arith.constant 80 : i32
      %add3A_512 = vector.broadcast %add3A_511 : i32 to vector<16xi32>
      %add3A_513 = arith.addi %iota3A_445, %add3A_512 : vector<16xi32>
      %get3A_514 = arith.constant 80 : index
      %get3A_515 = tpu.vector_load %arg9[%get3A_514] {strides = array<i32>} : memref<448xi32, #tpu.memory_space<vmem>>, vector<16xi32>,
      %get3A_516 = arith.constant 80 : index
      %get3A_517 = tpu.vector_load %arg10[%get3A_516] {strides = array<i32>} : memref<448xi32, #tpu.memory_space<vmem>>, vector<16xi32>,
      tpu.vector_store_idx %arg12[%get3A_515, %add3A_513], %mul3A_510 : memref<30x435xf32, #tpu.memory_space<vmem>>[vector<16xi32>, vector<16xi32>], vector<16xf32>,
      tpu.vector_store_idx %arg12[%get3A_517, %add3A_513], %mul3A_510 : memref<30x435xf32, #tpu.memory_space<vmem>>[vector<16xi32>, vector<16xi32>], vector<16xf32>,
      %get3A_518 = arith.constant 96 : index
      %get3A_519 = tpu.vector_load %arg8[%get3A_518] {strides = array<i32>} : memref<448xf32, #tpu.memory_space<vmem>>, vector<16xf32>,
      %mul3A_520 = arith.constant 5.000000e-01 : f32
      %mul3A_521 = vector.broadcast %mul3A_520 : f32 to vector<16xf32>
      %mul3A_522 = arith.mulf %get3A_519, %mul3A_521 : vector<16xf32>
      %add3A_523 = arith.constant 96 : i32
      %add3A_524 = vector.broadcast %add3A_523 : i32 to vector<16xi32>
      %add3A_525 = arith.addi %iota3A_445, %add3A_524 : vector<16xi32>
      %get3A_526 = arith.constant 96 : index
      %get3A_527 = tpu.vector_load %arg9[%get3A_526] {strides = array<i32>} : memref<448xi32, #tpu.memory_space<vmem>>, vector<16xi32>,
      %get3A_528 = arith.constant 96 : index
      %get3A_529 = tpu.vector_load %arg10[%get3A_528] {strides = array<i32>} : memref<448xi32, #tpu.memory_space<vmem>>, vector<16xi32>,
      tpu.vector_store_idx %arg12[%get3A_527, %add3A_525], %mul3A_522 : memref<30x435xf32, #tpu.memory_space<vmem>>[vector<16xi32>, vector<16xi32>], vector<16xf32>,
      tpu.vector_store_idx %arg12[%get3A_529, %add3A_525], %mul3A_522 : memref<30x435xf32, #tpu.memory_space<vmem>>[vector<16xi32>, vector<16xi32>], vector<16xf32>,
      %get3A_530 = arith.constant 112 : index
      %get3A_531 = tpu.vector_load %arg8[%get3A_530] {strides = array<i32>} : memref<448xf32, #tpu.memory_space<vmem>>, vector<16xf32>,
      %mul3A_532 = arith.constant 5.000000e-01 : f32
      %mul3A_533 = vector.broadcast %mul3A_532 : f32 to vector<16xf32>
      %mul3A_534 = arith.mulf %get3A_531, %mul3A_533 : vector<16xf32>
      %add3A_535 = arith.constant 112 : i32
      %add3A_536 = vector.broadcast %add3A_535 : i32 to vector<16xi32>
      %add3A_537 = arith.addi %iota3A_445, %add3A_536 : vector<16xi32>
      %get3A_538 = arith.constant 112 : index
      %get3A_539 = tpu.vector_load %arg9[%get3A_538] {strides = array<i32>} : memref<448xi32, #tpu.memory_space<vmem>>, vector<16xi32>,
      %get3A_540 = arith.constant 112 : index
      %get3A_541 = tpu.vector_load %arg10[%get3A_540] {strides = array<i32>} : memref<448xi32, #tpu.memory_space<vmem>>, vector<16xi32>,
      tpu.vector_store_idx %arg12[%get3A_539, %add3A_537], %mul3A_534 : memref<30x435xf32, #tpu.memory_space<vmem>>[vector<16xi32>, vector<16xi32>], vector<16xf32>,
      tpu.vector_store_idx %arg12[%get3A_541, %add3A_537], %mul3A_534 : memref<30x435xf32, #tpu.memory_space<vmem>>[vector<16xi32>, vector<16xi32>], vector<16xf32>,
      %get3A_542 = arith.constant 128 : index
      %get3A_543 = tpu.vector_load %arg8[%get3A_542] {strides = array<i32>} : memref<448xf32, #tpu.memory_space<vmem>>, vector<16xf32>,
      %mul3A_544 = arith.constant 5.000000e-01 : f32
      %mul3A_545 = vector.broadcast %mul3A_544 : f32 to vector<16xf32>
      %mul3A_546 = arith.mulf %get3A_543, %mul3A_545 : vector<16xf32>
      %add3A_547 = arith.constant 128 : i32
      %add3A_548 = vector.broadcast %add3A_547 : i32 to vector<16xi32>
      %add3A_549 = arith.addi %iota3A_445, %add3A_548 : vector<16xi32>
      %get3A_550 = arith.constant 128 : index
      %get3A_551 = tpu.vector_load %arg9[%get3A_550] {strides = array<i32>} : memref<448xi32, #tpu.memory_space<vmem>>, vector<16xi32>,
      %get3A_552 = arith.constant 128 : index
      %get3A_553 = tpu.vector_load %arg10[%get3A_552] {strides = array<i32>} : memref<448xi32, #tpu.memory_space<vmem>>, vector<16xi32>,
      tpu.vector_store_idx %arg12[%get3A_551, %add3A_549], %mul3A_546 : memref<30x435xf32, #tpu.memory_space<vmem>>[vector<16xi32>, vector<16xi32>], vector<16xf32>,
      tpu.vector_store_idx %arg12[%get3A_553, %add3A_549], %mul3A_546 : memref<30x435xf32, #tpu.memory_space<vmem>>[vector<16xi32>, vector<16xi32>], vector<16xf32>,
      %get3A_554 = arith.constant 144 : index
      %get3A_555 = tpu.vector_load %arg8[%get3A_554] {strides = array<i32>} : memref<448xf32, #tpu.memory_space<vmem>>, vector<16xf32>,
      %mul3A_556 = arith.constant 5.000000e-01 : f32
      %mul3A_557 = vector.broadcast %mul3A_556 : f32 to vector<16xf32>
      %mul3A_558 = arith.mulf %get3A_555, %mul3A_557 : vector<16xf32>
      %add3A_559 = arith.constant 144 : i32
      %add3A_560 = vector.broadcast %add3A_559 : i32 to vector<16xi32>
      %add3A_561 = arith.addi %iota3A_445, %add3A_560 : vector<16xi32>
      %get3A_562 = arith.constant 144 : index
      %get3A_563 = tpu.vector_load %arg9[%get3A_562] {strides = array<i32>} : memref<448xi32, #tpu.memory_space<vmem>>, vector<16xi32>,
      %get3A_564 = arith.constant 144 : index
      %get3A_565 = tpu.vector_load %arg10[%get3A_564] {strides = array<i32>} : memref<448xi32, #tpu.memory_space<vmem>>, vector<16xi32>,
      tpu.vector_store_idx %arg12[%get3A_563, %add3A_561], %mul3A_558 : memref<30x435xf32, #tpu.memory_space<vmem>>[vector<16xi32>, vector<16xi32>], vector<16xf32>,
      tpu.vector_store_idx %arg12[%get3A_565, %add3A_561], %mul3A_558 : memref<30x435xf32, #tpu.memory_space<vmem>>[vector<16xi32>, vector<16xi32>], vector<16xf32>,
      %get3A_566 = arith.constant 160 : index
      %get3A_567 = tpu.vector_load %arg8[%get3A_566] {strides = array<i32>} : memref<448xf32, #tpu.memory_space<vmem>>, vector<16xf32>,
      %mul3A_568 = arith.constant 5.000000e-01 : f32
      %mul3A_569 = vector.broadcast %mul3A_568 : f32 to vector<16xf32>
      %mul3A_570 = arith.mulf %get3A_567, %mul3A_569 : vector<16xf32>
      %add3A_571 = arith.constant 160 : i32
      %add3A_572 = vector.broadcast %add3A_571 : i32 to vector<16xi32>
      %add3A_573 = arith.addi %iota3A_445, %add3A_572 : vector<16xi32>
      %get3A_574 = arith.constant 160 : index
      %get3A_575 = tpu.vector_load %arg9[%get3A_574] {strides = array<i32>} : memref<448xi32, #tpu.memory_space<vmem>>, vector<16xi32>,
      %get3A_576 = arith.constant 160 : index
      %get3A_577 = tpu.vector_load %arg10[%get3A_576] {strides = array<i32>} : memref<448xi32, #tpu.memory_space<vmem>>, vector<16xi32>,
      tpu.vector_store_idx %arg12[%get3A_575, %add3A_573], %mul3A_570 : memref<30x435xf32, #tpu.memory_space<vmem>>[vector<16xi32>, vector<16xi32>], vector<16xf32>,
      tpu.vector_store_idx %arg12[%get3A_577, %add3A_573], %mul3A_570 : memref<30x435xf32, #tpu.memory_space<vmem>>[vector<16xi32>, vector<16xi32>], vector<16xf32>,
      %get3A_578 = arith.constant 176 : index
      %get3A_579 = tpu.vector_load %arg8[%get3A_578] {strides = array<i32>} : memref<448xf32, #tpu.memory_space<vmem>>, vector<16xf32>,
      %mul3A_580 = arith.constant 5.000000e-01 : f32
      %mul3A_581 = vector.broadcast %mul3A_580 : f32 to vector<16xf32>
      %mul3A_582 = arith.mulf %get3A_579, %mul3A_581 : vector<16xf32>
      %add3A_583 = arith.constant 176 : i32
      %add3A_584 = vector.broadcast %add3A_583 : i32 to vector<16xi32>
      %add3A_585 = arith.addi %iota3A_445, %add3A_584 : vector<16xi32>
      %get3A_586 = arith.constant 176 : index
      %get3A_587 = tpu.vector_load %arg9[%get3A_586] {strides = array<i32>} : memref<448xi32, #tpu.memory_space<vmem>>, vector<16xi32>,
      %get3A_588 = arith.constant 176 : index
      %get3A_589 = tpu.vector_load %arg10[%get3A_588] {strides = array<i32>} : memref<448xi32, #tpu.memory_space<vmem>>, vector<16xi32>,
      tpu.vector_store_idx %arg12[%get3A_587, %add3A_585], %mul3A_582 : memref<30x435xf32, #tpu.memory_space<vmem>>[vector<16xi32>, vector<16xi32>], vector<16xf32>,
      tpu.vector_store_idx %arg12[%get3A_589, %add3A_585], %mul3A_582 : memref<30x435xf32, #tpu.memory_space<vmem>>[vector<16xi32>, vector<16xi32>], vector<16xf32>,
      %get3A_590 = arith.constant 192 : index
      %get3A_591 = tpu.vector_load %arg8[%get3A_590] {strides = array<i32>} : memref<448xf32, #tpu.memory_space<vmem>>, vector<16xf32>,
      %mul3A_592 = arith.constant 5.000000e-01 : f32
      %mul3A_593 = vector.broadcast %mul3A_592 : f32 to vector<16xf32>
      %mul3A_594 = arith.mulf %get3A_591, %mul3A_593 : vector<16xf32>
      %add3A_595 = arith.constant 192 : i32
      %add3A_596 = vector.broadcast %add3A_595 : i32 to vector<16xi32>
      %add3A_597 = arith.addi %iota3A_445, %add3A_596 : vector<16xi32>
      %get3A_598 = arith.constant 192 : index
      %get3A_599 = tpu.vector_load %arg9[%get3A_598] {strides = array<i32>} : memref<448xi32, #tpu.memory_space<vmem>>, vector<16xi32>,
      %get3A_600 = arith.constant 192 : index
      %get3A_601 = tpu.vector_load %arg10[%get3A_600] {strides = array<i32>} : memref<448xi32, #tpu.memory_space<vmem>>, vector<16xi32>,
      tpu.vector_store_idx %arg12[%get3A_599, %add3A_597], %mul3A_594 : memref<30x435xf32, #tpu.memory_space<vmem>>[vector<16xi32>, vector<16xi32>], vector<16xf32>,
      tpu.vector_store_idx %arg12[%get3A_601, %add3A_597], %mul3A_594 : memref<30x435xf32, #tpu.memory_space<vmem>>[vector<16xi32>, vector<16xi32>], vector<16xf32>,
      %get3A_602 = arith.constant 208 : index
      %get3A_603 = tpu.vector_load %arg8[%get3A_602] {strides = array<i32>} : memref<448xf32, #tpu.memory_space<vmem>>, vector<16xf32>,
      %mul3A_604 = arith.constant 5.000000e-01 : f32
      %mul3A_605 = vector.broadcast %mul3A_604 : f32 to vector<16xf32>
      %mul3A_606 = arith.mulf %get3A_603, %mul3A_605 : vector<16xf32>
      %add3A_607 = arith.constant 208 : i32
      %add3A_608 = vector.broadcast %add3A_607 : i32 to vector<16xi32>
      %add3A_609 = arith.addi %iota3A_445, %add3A_608 : vector<16xi32>
      %get3A_610 = arith.constant 208 : index
      %get3A_611 = tpu.vector_load %arg9[%get3A_610] {strides = array<i32>} : memref<448xi32, #tpu.memory_space<vmem>>, vector<16xi32>,
      %get3A_612 = arith.constant 208 : index
      %get3A_613 = tpu.vector_load %arg10[%get3A_612] {strides = array<i32>} : memref<448xi32, #tpu.memory_space<vmem>>, vector<16xi32>,
      tpu.vector_store_idx %arg12[%get3A_611, %add3A_609], %mul3A_606 : memref<30x435xf32, #tpu.memory_space<vmem>>[vector<16xi32>, vector<16xi32>], vector<16xf32>,
      tpu.vector_store_idx %arg12[%get3A_613, %add3A_609], %mul3A_606 : memref<30x435xf32, #tpu.memory_space<vmem>>[vector<16xi32>, vector<16xi32>], vector<16xf32>,
      %get3A_614 = arith.constant 224 : index
      %get3A_615 = tpu.vector_load %arg8[%get3A_614] {strides = array<i32>} : memref<448xf32, #tpu.memory_space<vmem>>, vector<16xf32>,
      %mul3A_616 = arith.constant 5.000000e-01 : f32
      %mul3A_617 = vector.broadcast %mul3A_616 : f32 to vector<16xf32>
      %mul3A_618 = arith.mulf %get3A_615, %mul3A_617 : vector<16xf32>
      %add3A_619 = arith.constant 224 : i32
      %add3A_620 = vector.broadcast %add3A_619 : i32 to vector<16xi32>
      %add3A_621 = arith.addi %iota3A_445, %add3A_620 : vector<16xi32>
      %get3A_622 = arith.constant 224 : index
      %get3A_623 = tpu.vector_load %arg9[%get3A_622] {strides = array<i32>} : memref<448xi32, #tpu.memory_space<vmem>>, vector<16xi32>,
      %get3A_624 = arith.constant 224 : index
      %get3A_625 = tpu.vector_load %arg10[%get3A_624] {strides = array<i32>} : memref<448xi32, #tpu.memory_space<vmem>>, vector<16xi32>,
      tpu.vector_store_idx %arg12[%get3A_623, %add3A_621], %mul3A_618 : memref<30x435xf32, #tpu.memory_space<vmem>>[vector<16xi32>, vector<16xi32>], vector<16xf32>,
      tpu.vector_store_idx %arg12[%get3A_625, %add3A_621], %mul3A_618 : memref<30x435xf32, #tpu.memory_space<vmem>>[vector<16xi32>, vector<16xi32>], vector<16xf32>,
      %get3A_626 = arith.constant 240 : index
      %get3A_627 = tpu.vector_load %arg8[%get3A_626] {strides = array<i32>} : memref<448xf32, #tpu.memory_space<vmem>>, vector<16xf32>,
      %mul3A_628 = arith.constant 5.000000e-01 : f32
      %mul3A_629 = vector.broadcast %mul3A_628 : f32 to vector<16xf32>
      %mul3A_630 = arith.mulf %get3A_627, %mul3A_629 : vector<16xf32>
      %add3A_631 = arith.constant 240 : i32
      %add3A_632 = vector.broadcast %add3A_631 : i32 to vector<16xi32>
      %add3A_633 = arith.addi %iota3A_445, %add3A_632 : vector<16xi32>
      %get3A_634 = arith.constant 240 : index
      %get3A_635 = tpu.vector_load %arg9[%get3A_634] {strides = array<i32>} : memref<448xi32, #tpu.memory_space<vmem>>, vector<16xi32>,
      %get3A_636 = arith.constant 240 : index
      %get3A_637 = tpu.vector_load %arg10[%get3A_636] {strides = array<i32>} : memref<448xi32, #tpu.memory_space<vmem>>, vector<16xi32>,
      tpu.vector_store_idx %arg12[%get3A_635, %add3A_633], %mul3A_630 : memref<30x435xf32, #tpu.memory_space<vmem>>[vector<16xi32>, vector<16xi32>], vector<16xf32>,
      tpu.vector_store_idx %arg12[%get3A_637, %add3A_633], %mul3A_630 : memref<30x435xf32, #tpu.memory_space<vmem>>[vector<16xi32>, vector<16xi32>], vector<16xf32>,
      %get3A_638 = arith.constant 256 : index
      %get3A_639 = tpu.vector_load %arg8[%get3A_638] {strides = array<i32>} : memref<448xf32, #tpu.memory_space<vmem>>, vector<16xf32>,
      %mul3A_640 = arith.constant 5.000000e-01 : f32
      %mul3A_641 = vector.broadcast %mul3A_640 : f32 to vector<16xf32>
      %mul3A_642 = arith.mulf %get3A_639, %mul3A_641 : vector<16xf32>
      %add3A_643 = arith.constant 256 : i32
      %add3A_644 = vector.broadcast %add3A_643 : i32 to vector<16xi32>
      %add3A_645 = arith.addi %iota3A_445, %add3A_644 : vector<16xi32>
      %get3A_646 = arith.constant 256 : index
      %get3A_647 = tpu.vector_load %arg9[%get3A_646] {strides = array<i32>} : memref<448xi32, #tpu.memory_space<vmem>>, vector<16xi32>,
      %get3A_648 = arith.constant 256 : index
      %get3A_649 = tpu.vector_load %arg10[%get3A_648] {strides = array<i32>} : memref<448xi32, #tpu.memory_space<vmem>>, vector<16xi32>,
      tpu.vector_store_idx %arg12[%get3A_647, %add3A_645], %mul3A_642 : memref<30x435xf32, #tpu.memory_space<vmem>>[vector<16xi32>, vector<16xi32>], vector<16xf32>,
      tpu.vector_store_idx %arg12[%get3A_649, %add3A_645], %mul3A_642 : memref<30x435xf32, #tpu.memory_space<vmem>>[vector<16xi32>, vector<16xi32>], vector<16xf32>,
      %get3A_650 = arith.constant 272 : index
      %get3A_651 = tpu.vector_load %arg8[%get3A_650] {strides = array<i32>} : memref<448xf32, #tpu.memory_space<vmem>>, vector<16xf32>,
      %mul3A_652 = arith.constant 5.000000e-01 : f32
      %mul3A_653 = vector.broadcast %mul3A_652 : f32 to vector<16xf32>
      %mul3A_654 = arith.mulf %get3A_651, %mul3A_653 : vector<16xf32>
      %add3A_655 = arith.constant 272 : i32
      %add3A_656 = vector.broadcast %add3A_655 : i32 to vector<16xi32>
      %add3A_657 = arith.addi %iota3A_445, %add3A_656 : vector<16xi32>
      %get3A_658 = arith.constant 272 : index
      %get3A_659 = tpu.vector_load %arg9[%get3A_658] {strides = array<i32>} : memref<448xi32, #tpu.memory_space<vmem>>, vector<16xi32>,
      %get3A_660 = arith.constant 272 : index
      %get3A_661 = tpu.vector_load %arg10[%get3A_660] {strides = array<i32>} : memref<448xi32, #tpu.memory_space<vmem>>, vector<16xi32>,
      tpu.vector_store_idx %arg12[%get3A_659, %add3A_657], %mul3A_654 : memref<30x435xf32, #tpu.memory_space<vmem>>[vector<16xi32>, vector<16xi32>], vector<16xf32>,
      tpu.vector_store_idx %arg12[%get3A_661, %add3A_657], %mul3A_654 : memref<30x435xf32, #tpu.memory_space<vmem>>[vector<16xi32>, vector<16xi32>], vector<16xf32>,
      %get3A_662 = arith.constant 288 : index
      %get3A_663 = tpu.vector_load %arg8[%get3A_662] {strides = array<i32>} : memref<448xf32, #tpu.memory_space<vmem>>, vector<16xf32>,
      %mul3A_664 = arith.constant 5.000000e-01 : f32
      %mul3A_665 = vector.broadcast %mul3A_664 : f32 to vector<16xf32>
      %mul3A_666 = arith.mulf %get3A_663, %mul3A_665 : vector<16xf32>
      %add3A_667 = arith.constant 288 : i32
      %add3A_668 = vector.broadcast %add3A_667 : i32 to vector<16xi32>
      %add3A_669 = arith.addi %iota3A_445, %add3A_668 : vector<16xi32>
      %get3A_670 = arith.constant 288 : index
      %get3A_671 = tpu.vector_load %arg9[%get3A_670] {strides = array<i32>} : memref<448xi32, #tpu.memory_space<vmem>>, vector<16xi32>,
      %get3A_672 = arith.constant 288 : index
      %get3A_673 = tpu.vector_load %arg10[%get3A_672] {strides = array<i32>} : memref<448xi32, #tpu.memory_space<vmem>>, vector<16xi32>,
      tpu.vector_store_idx %arg12[%get3A_671, %add3A_669], %mul3A_666 : memref<30x435xf32, #tpu.memory_space<vmem>>[vector<16xi32>, vector<16xi32>], vector<16xf32>,
      tpu.vector_store_idx %arg12[%get3A_673, %add3A_669], %mul3A_666 : memref<30x435xf32, #tpu.memory_space<vmem>>[vector<16xi32>, vector<16xi32>], vector<16xf32>,
      %get3A_674 = arith.constant 304 : index
      %get3A_675 = tpu.vector_load %arg8[%get3A_674] {strides = array<i32>} : memref<448xf32, #tpu.memory_space<vmem>>, vector<16xf32>,
      %mul3A_676 = arith.constant 5.000000e-01 : f32
      %mul3A_677 = vector.broadcast %mul3A_676 : f32 to vector<16xf32>
      %mul3A_678 = arith.mulf %get3A_675, %mul3A_677 : vector<16xf32>
      %add3A_679 = arith.constant 304 : i32
      %add3A_680 = vector.broadcast %add3A_679 : i32 to vector<16xi32>
      %add3A_681 = arith.addi %iota3A_445, %add3A_680 : vector<16xi32>
      %get3A_682 = arith.constant 304 : index
      %get3A_683 = tpu.vector_load %arg9[%get3A_682] {strides = array<i32>} : memref<448xi32, #tpu.memory_space<vmem>>, vector<16xi32>,
      %get3A_684 = arith.constant 304 : index
      %get3A_685 = tpu.vector_load %arg10[%get3A_684] {strides = array<i32>} : memref<448xi32, #tpu.memory_space<vmem>>, vector<16xi32>,
      tpu.vector_store_idx %arg12[%get3A_683, %add3A_681], %mul3A_678 : memref<30x435xf32, #tpu.memory_space<vmem>>[vector<16xi32>, vector<16xi32>], vector<16xf32>,
      tpu.vector_store_idx %arg12[%get3A_685, %add3A_681], %mul3A_678 : memref<30x435xf32, #tpu.memory_space<vmem>>[vector<16xi32>, vector<16xi32>], vector<16xf32>,
      %get3A_686 = arith.constant 320 : index
      %get3A_687 = tpu.vector_load %arg8[%get3A_686] {strides = array<i32>} : memref<448xf32, #tpu.memory_space<vmem>>, vector<16xf32>,
      %mul3A_688 = arith.constant 5.000000e-01 : f32
      %mul3A_689 = vector.broadcast %mul3A_688 : f32 to vector<16xf32>
      %mul3A_690 = arith.mulf %get3A_687, %mul3A_689 : vector<16xf32>
      %add3A_691 = arith.constant 320 : i32
      %add3A_692 = vector.broadcast %add3A_691 : i32 to vector<16xi32>
      %add3A_693 = arith.addi %iota3A_445, %add3A_692 : vector<16xi32>
      %get3A_694 = arith.constant 320 : index
      %get3A_695 = tpu.vector_load %arg9[%get3A_694] {strides = array<i32>} : memref<448xi32, #tpu.memory_space<vmem>>, vector<16xi32>,
      %get3A_696 = arith.constant 320 : index
      %get3A_697 = tpu.vector_load %arg10[%get3A_696] {strides = array<i32>} : memref<448xi32, #tpu.memory_space<vmem>>, vector<16xi32>,
      tpu.vector_store_idx %arg12[%get3A_695, %add3A_693], %mul3A_690 : memref<30x435xf32, #tpu.memory_space<vmem>>[vector<16xi32>, vector<16xi32>], vector<16xf32>,
      tpu.vector_store_idx %arg12[%get3A_697, %add3A_693], %mul3A_690 : memref<30x435xf32, #tpu.memory_space<vmem>>[vector<16xi32>, vector<16xi32>], vector<16xf32>,
      %get3A_698 = arith.constant 336 : index
      %get3A_699 = tpu.vector_load %arg8[%get3A_698] {strides = array<i32>} : memref<448xf32, #tpu.memory_space<vmem>>, vector<16xf32>,
      %mul3A_700 = arith.constant 5.000000e-01 : f32
      %mul3A_701 = vector.broadcast %mul3A_700 : f32 to vector<16xf32>
      %mul3A_702 = arith.mulf %get3A_699, %mul3A_701 : vector<16xf32>
      %add3A_703 = arith.constant 336 : i32
      %add3A_704 = vector.broadcast %add3A_703 : i32 to vector<16xi32>
      %add3A_705 = arith.addi %iota3A_445, %add3A_704 : vector<16xi32>
      %get3A_706 = arith.constant 336 : index
      %get3A_707 = tpu.vector_load %arg9[%get3A_706] {strides = array<i32>} : memref<448xi32, #tpu.memory_space<vmem>>, vector<16xi32>,
      %get3A_708 = arith.constant 336 : index
      %get3A_709 = tpu.vector_load %arg10[%get3A_708] {strides = array<i32>} : memref<448xi32, #tpu.memory_space<vmem>>, vector<16xi32>,
      tpu.vector_store_idx %arg12[%get3A_707, %add3A_705], %mul3A_702 : memref<30x435xf32, #tpu.memory_space<vmem>>[vector<16xi32>, vector<16xi32>], vector<16xf32>,
      tpu.vector_store_idx %arg12[%get3A_709, %add3A_705], %mul3A_702 : memref<30x435xf32, #tpu.memory_space<vmem>>[vector<16xi32>, vector<16xi32>], vector<16xf32>,
      %get3A_710 = arith.constant 352 : index
      %get3A_711 = tpu.vector_load %arg8[%get3A_710] {strides = array<i32>} : memref<448xf32, #tpu.memory_space<vmem>>, vector<16xf32>,
      %mul3A_712 = arith.constant 5.000000e-01 : f32
      %mul3A_713 = vector.broadcast %mul3A_712 : f32 to vector<16xf32>
      %mul3A_714 = arith.mulf %get3A_711, %mul3A_713 : vector<16xf32>
      %add3A_715 = arith.constant 352 : i32
      %add3A_716 = vector.broadcast %add3A_715 : i32 to vector<16xi32>
      %add3A_717 = arith.addi %iota3A_445, %add3A_716 : vector<16xi32>
      %get3A_718 = arith.constant 352 : index
      %get3A_719 = tpu.vector_load %arg9[%get3A_718] {strides = array<i32>} : memref<448xi32, #tpu.memory_space<vmem>>, vector<16xi32>,
      %get3A_720 = arith.constant 352 : index
      %get3A_721 = tpu.vector_load %arg10[%get3A_720] {strides = array<i32>} : memref<448xi32, #tpu.memory_space<vmem>>, vector<16xi32>,
      tpu.vector_store_idx %arg12[%get3A_719, %add3A_717], %mul3A_714 : memref<30x435xf32, #tpu.memory_space<vmem>>[vector<16xi32>, vector<16xi32>], vector<16xf32>,
      tpu.vector_store_idx %arg12[%get3A_721, %add3A_717], %mul3A_714 : memref<30x435xf32, #tpu.memory_space<vmem>>[vector<16xi32>, vector<16xi32>], vector<16xf32>,
      %get3A_722 = arith.constant 368 : index
      %get3A_723 = tpu.vector_load %arg8[%get3A_722] {strides = array<i32>} : memref<448xf32, #tpu.memory_space<vmem>>, vector<16xf32>,
      %mul3A_724 = arith.constant 5.000000e-01 : f32
      %mul3A_725 = vector.broadcast %mul3A_724 : f32 to vector<16xf32>
      %mul3A_726 = arith.mulf %get3A_723, %mul3A_725 : vector<16xf32>
      %add3A_727 = arith.constant 368 : i32
      %add3A_728 = vector.broadcast %add3A_727 : i32 to vector<16xi32>
      %add3A_729 = arith.addi %iota3A_445, %add3A_728 : vector<16xi32>
      %get3A_730 = arith.constant 368 : index
      %get3A_731 = tpu.vector_load %arg9[%get3A_730] {strides = array<i32>} : memref<448xi32, #tpu.memory_space<vmem>>, vector<16xi32>,
      %get3A_732 = arith.constant 368 : index
      %get3A_733 = tpu.vector_load %arg10[%get3A_732] {strides = array<i32>} : memref<448xi32, #tpu.memory_space<vmem>>, vector<16xi32>,
      tpu.vector_store_idx %arg12[%get3A_731, %add3A_729], %mul3A_726 : memref<30x435xf32, #tpu.memory_space<vmem>>[vector<16xi32>, vector<16xi32>], vector<16xf32>,
      tpu.vector_store_idx %arg12[%get3A_733, %add3A_729], %mul3A_726 : memref<30x435xf32, #tpu.memory_space<vmem>>[vector<16xi32>, vector<16xi32>], vector<16xf32>,
      %get3A_734 = arith.constant 384 : index
      %get3A_735 = tpu.vector_load %arg8[%get3A_734] {strides = array<i32>} : memref<448xf32, #tpu.memory_space<vmem>>, vector<16xf32>,
      %mul3A_736 = arith.constant 5.000000e-01 : f32
      %mul3A_737 = vector.broadcast %mul3A_736 : f32 to vector<16xf32>
      %mul3A_738 = arith.mulf %get3A_735, %mul3A_737 : vector<16xf32>
      %add3A_739 = arith.constant 384 : i32
      %add3A_740 = vector.broadcast %add3A_739 : i32 to vector<16xi32>
      %add3A_741 = arith.addi %iota3A_445, %add3A_740 : vector<16xi32>
      %get3A_742 = arith.constant 384 : index
      %get3A_743 = tpu.vector_load %arg9[%get3A_742] {strides = array<i32>} : memref<448xi32, #tpu.memory_space<vmem>>, vector<16xi32>,
      %get3A_744 = arith.constant 384 : index
      %get3A_745 = tpu.vector_load %arg10[%get3A_744] {strides = array<i32>} : memref<448xi32, #tpu.memory_space<vmem>>, vector<16xi32>,
      tpu.vector_store_idx %arg12[%get3A_743, %add3A_741], %mul3A_738 : memref<30x435xf32, #tpu.memory_space<vmem>>[vector<16xi32>, vector<16xi32>], vector<16xf32>,
      tpu.vector_store_idx %arg12[%get3A_745, %add3A_741], %mul3A_738 : memref<30x435xf32, #tpu.memory_space<vmem>>[vector<16xi32>, vector<16xi32>], vector<16xf32>,
      %get3A_746 = arith.constant 400 : index
      %get3A_747 = tpu.vector_load %arg8[%get3A_746] {strides = array<i32>} : memref<448xf32, #tpu.memory_space<vmem>>, vector<16xf32>,
      %mul3A_748 = arith.constant 5.000000e-01 : f32
      %mul3A_749 = vector.broadcast %mul3A_748 : f32 to vector<16xf32>
      %mul3A_750 = arith.mulf %get3A_747, %mul3A_749 : vector<16xf32>
      %add3A_751 = arith.constant 400 : i32
      %add3A_752 = vector.broadcast %add3A_751 : i32 to vector<16xi32>
      %add3A_753 = arith.addi %iota3A_445, %add3A_752 : vector<16xi32>
      %get3A_754 = arith.constant 400 : index
      %get3A_755 = tpu.vector_load %arg9[%get3A_754] {strides = array<i32>} : memref<448xi32, #tpu.memory_space<vmem>>, vector<16xi32>,
      %get3A_756 = arith.constant 400 : index
      %get3A_757 = tpu.vector_load %arg10[%get3A_756] {strides = array<i32>} : memref<448xi32, #tpu.memory_space<vmem>>, vector<16xi32>,
      tpu.vector_store_idx %arg12[%get3A_755, %add3A_753], %mul3A_750 : memref<30x435xf32, #tpu.memory_space<vmem>>[vector<16xi32>, vector<16xi32>], vector<16xf32>,
      tpu.vector_store_idx %arg12[%get3A_757, %add3A_753], %mul3A_750 : memref<30x435xf32, #tpu.memory_space<vmem>>[vector<16xi32>, vector<16xi32>], vector<16xf32>,
      %get3A_758 = arith.constant 416 : index
      %get3A_759 = tpu.vector_load %arg8[%get3A_758] {strides = array<i32>} : memref<448xf32, #tpu.memory_space<vmem>>, vector<16xf32>,
      %mul3A_760 = arith.constant 5.000000e-01 : f32
      %mul3A_761 = vector.broadcast %mul3A_760 : f32 to vector<16xf32>
      %mul3A_762 = arith.mulf %get3A_759, %mul3A_761 : vector<16xf32>
      %add3A_763 = arith.constant 416 : i32
      %add3A_764 = vector.broadcast %add3A_763 : i32 to vector<16xi32>
      %add3A_765 = arith.addi %iota3A_445, %add3A_764 : vector<16xi32>
      %get3A_766 = arith.constant 416 : index
      %get3A_767 = tpu.vector_load %arg9[%get3A_766] {strides = array<i32>} : memref<448xi32, #tpu.memory_space<vmem>>, vector<16xi32>,
      %get3A_768 = arith.constant 416 : index
      %get3A_769 = tpu.vector_load %arg10[%get3A_768] {strides = array<i32>} : memref<448xi32, #tpu.memory_space<vmem>>, vector<16xi32>,
      tpu.vector_store_idx %arg12[%get3A_767, %add3A_765], %mul3A_762 : memref<30x435xf32, #tpu.memory_space<vmem>>[vector<16xi32>, vector<16xi32>], vector<16xf32>,
      tpu.vector_store_idx %arg12[%get3A_769, %add3A_765], %mul3A_762 : memref<30x435xf32, #tpu.memory_space<vmem>>[vector<16xi32>, vector<16xi32>], vector<16xf32>,
      %get3A_770 = arith.constant 432 : index
      %get3A_771 = tpu.vector_load %arg8[%get3A_770] {strides = array<i32>} : memref<448xf32, #tpu.memory_space<vmem>>, vector<16xf32>,
      %mul3A_772 = arith.constant 5.000000e-01 : f32
      %mul3A_773 = vector.broadcast %mul3A_772 : f32 to vector<16xf32>
      %mul3A_774 = arith.mulf %get3A_771, %mul3A_773 : vector<16xf32>
      %add3A_775 = arith.constant 432 : i32
      %add3A_776 = vector.broadcast %add3A_775 : i32 to vector<16xi32>
      %add3A_777 = arith.addi %iota3A_445, %add3A_776 : vector<16xi32>
      %get3A_778 = arith.constant 432 : index
      %get3A_779 = tpu.vector_load %arg9[%get3A_778] {strides = array<i32>} : memref<448xi32, #tpu.memory_space<vmem>>, vector<16xi32>,
      %get3A_780 = arith.constant 432 : index
      %get3A_781 = tpu.vector_load %arg10[%get3A_780] {strides = array<i32>} : memref<448xi32, #tpu.memory_space<vmem>>, vector<16xi32>,
      %lt3A_782 = arith.constant 3 : i32
      %lt3A_783 = vector.broadcast %lt3A_782 : i32 to vector<16xi32>
      %lt3A_784 = arith.cmpi slt, %iota3A_445, %lt3A_783 : vector<16xi32>
      tpu.vector_store_idx %arg12[%get3A_779, %add3A_777], %mul3A_774 masked %lt3A_784 : memref<30x435xf32, #tpu.memory_space<vmem>>[vector<16xi32>, vector<16xi32>], vector<16xf32>, vector<16xi1>
      tpu.vector_store_idx %arg12[%get3A_781, %add3A_777], %mul3A_774 masked %lt3A_784 : memref<30x435xf32, #tpu.memory_space<vmem>>[vector<16xi32>, vector<16xi32>], vector<16xf32>, vector<16xi1>
      %lt3A_785 = arith.constant 63 : i32
      %lt3A_786 = arith.cmpi slt, %scan3A_57, %lt3A_785 : i32
      %convert_element_type3A_787 = arith.extui %lt3A_786 : i1 to i32
      %cond3A_788 = arith.constant 0 : i32
      %cond3A_789 = arith.cmpi ne, %convert_element_type3A_787, %cond3A_788 : i32
      scf.if %cond3A_789 {
        %add3A_798 = arith.constant 2 : i32
        %add3A_799 = arith.addi %add3A_429, %add3A_798 : i32
        %dma_start3A_800 = arith.constant 0 : i32
        %dma_start3A_801 = tpu.memref_slice %arg8[%dma_start3A_800] : memref<448xf32, #tpu.memory_space<vmem>> -> memref<435xf32, #tpu.memory_space<vmem>>
        %dma_start3A_802 = arith.constant 0 : i32
        %dma_start3A_803 = tpu.memref_slice %arg2[%add3A_799, %dma_start3A_802] : memref<4096x435xf32, #tpu.memory_space<hbm>> -> memref<1x435xf32, #tpu.memory_space<hbm>>
        %dma_start3A_804 = tpu.memref_squeeze %dma_start3A_803 : memref<1x435xf32, #tpu.memory_space<hbm>> -> memref<435xf32, #tpu.memory_space<hbm>>
        %dma_start3A_805 = arith.constant 0 : i32
        %dma_start3A_806 = tpu.memref_slice %arg8[%dma_start3A_805] : memref<448xf32, #tpu.memory_space<vmem>> -> memref<435xf32, #tpu.memory_space<vmem>>
        %dma_start3A_807 = arith.constant 0 : i32
        %dma_start3A_808 = tpu.memref_slice %arg2[%add3A_799, %dma_start3A_807] : memref<4096x435xf32, #tpu.memory_space<hbm>> -> memref<1x435xf32, #tpu.memory_space<hbm>>
        %dma_start3A_809 = tpu.memref_squeeze %dma_start3A_808 : memref<1x435xf32, #tpu.memory_space<hbm>> -> memref<435xf32, #tpu.memory_space<hbm>>
        tpu.enqueue_dma source(%dma_start3A_809 : memref<435xf32, #tpu.memory_space<hbm>>) target(%dma_start3A_806 : memref<435xf32, #tpu.memory_space<vmem>>) target_semaphore(%arg14 : memref<!tpu.dma_semaphore, #tpu.memory_space<semaphore_mem>>)
      } else {
      }
      %dma_start3A_790 = arith.constant 0 : i32
      %dma_start3A_791 = arith.constant 0 : i32
      %dma_start3A_792 = tpu.memref_slice %arg6[%add3A_429, %dma_start3A_790, %dma_start3A_791] : memref<4096x30x435xf32, #tpu.memory_space<hbm>> -> memref<1x30x435xf32, #tpu.memory_space<hbm>>
      %dma_start3A_793 = tpu.memref_squeeze %dma_start3A_792 : memref<1x30x435xf32, #tpu.memory_space<hbm>> -> memref<30x435xf32, #tpu.memory_space<hbm>>
      %dma_start3A_794 = arith.constant 0 : i32
      %dma_start3A_795 = arith.constant 0 : i32
      %dma_start3A_796 = tpu.memref_slice %arg6[%add3A_429, %dma_start3A_794, %dma_start3A_795] : memref<4096x30x435xf32, #tpu.memory_space<hbm>> -> memref<1x30x435xf32, #tpu.memory_space<hbm>>
      %dma_start3A_797 = tpu.memref_squeeze %dma_start3A_796 : memref<1x30x435xf32, #tpu.memory_space<hbm>> -> memref<30x435xf32, #tpu.memory_space<hbm>>
      tpu.enqueue_dma source(%arg12 : memref<30x435xf32, #tpu.memory_space<vmem>>) target(%dma_start3A_797 : memref<30x435xf32, #tpu.memory_space<hbm>>) target_semaphore(%arg16 : memref<!tpu.dma_semaphore, #tpu.memory_space<semaphore_mem>>)
    }
    %scan3A_30 = arith.constant 64 : i32
    %add3A_31 = arith.constant 128 : i32
    %add3A_32 = arith.addi %mul3A_2, %add3A_31 : i32
    %sub3A = arith.constant 2 : i32
    %sub3A_33 = arith.subi %add3A_32, %sub3A : i32
    %add3A_34 = arith.constant 0 : i32
    %add3A_35 = arith.addi %sub3A_33, %add3A_34 : i32
    %dma_wait3A = arith.constant 0 : i32
    %dma_wait3A_36 = arith.constant 0 : i32
    %dma_wait3A_37 = tpu.memref_slice %arg6[%add3A_35, %dma_wait3A, %dma_wait3A_36] : memref<4096x30x435xf32, #tpu.memory_space<hbm>> -> memref<1x30x435xf32, #tpu.memory_space<hbm>>
    %dma_wait3A_38 = tpu.memref_squeeze %dma_wait3A_37 : memref<1x30x435xf32, #tpu.memory_space<hbm>> -> memref<30x435xf32, #tpu.memory_space<hbm>>
    %dma_wait3A_39 = arith.constant 0 : i32
    %dma_wait3A_40 = arith.constant 0 : i32
    %dma_wait3A_41 = tpu.memref_slice %arg6[%add3A_35, %dma_wait3A_39, %dma_wait3A_40] : memref<4096x30x435xf32, #tpu.memory_space<hbm>> -> memref<1x30x435xf32, #tpu.memory_space<hbm>>
    %dma_wait3A_42 = tpu.memref_squeeze %dma_wait3A_41 : memref<1x30x435xf32, #tpu.memory_space<hbm>> -> memref<30x435xf32, #tpu.memory_space<hbm>>
    tpu.wait_dma2 semaphore(%arg15 : memref<!tpu.dma_semaphore, #tpu.memory_space<semaphore_mem>>) src(%arg11 : memref<30x435xf32, #tpu.memory_space<vmem>>) dst(%dma_wait3A_42 : memref<30x435xf32, #tpu.memory_space<hbm>>)
    %add3A_43 = arith.constant 128 : i32
    %add3A_44 = arith.addi %mul3A_2, %add3A_43 : i32
    %sub3A_45 = arith.constant 2 : i32
    %sub3A_46 = arith.subi %add3A_44, %sub3A_45 : i32
    %add3A_47 = arith.constant 1 : i32
    %add3A_48 = arith.addi %sub3A_46, %add3A_47 : i32
    %dma_wait3A_49 = arith.constant 0 : i32
    %dma_wait3A_50 = arith.constant 0 : i32
    %dma_wait3A_51 = tpu.memref_slice %arg6[%add3A_48, %dma_wait3A_49, %dma_wait3A_50] : memref<4096x30x435xf32, #tpu.memory_space<hbm>> -> memref<1x30x435xf32, #tpu.memory_space<hbm>>
    %dma_wait3A_52 = tpu.memref_squeeze %dma_wait3A_51 : memref<1x30x435xf32, #tpu.memory_space<hbm>> -> memref<30x435xf32, #tpu.memory_space<hbm>>
    %dma_wait3A_53 = arith.constant 0 : i32
    %dma_wait3A_54 = arith.constant 0 : i32
    %dma_wait3A_55 = tpu.memref_slice %arg6[%add3A_48, %dma_wait3A_53, %dma_wait3A_54] : memref<4096x30x435xf32, #tpu.memory_space<hbm>> -> memref<1x30x435xf32, #tpu.memory_space<hbm>>
    %dma_wait3A_56 = tpu.memref_squeeze %dma_wait3A_55 : memref<1x30x435xf32, #tpu.memory_space<hbm>> -> memref<30x435xf32, #tpu.memory_space<hbm>>
    tpu.wait_dma2 semaphore(%arg16 : memref<!tpu.dma_semaphore, #tpu.memory_space<semaphore_mem>>) src(%arg12 : memref<30x435xf32, #tpu.memory_space<vmem>>) dst(%dma_wait3A_56 : memref<30x435xf32, #tpu.memory_space<hbm>>)
    return
  }
}

</mosaic_0001>

<sc_bundles>
// kernel: kernel.3.cloned.1.call-start
scs
__scs_entry_jumppad:
0x0: {  	(pc) =	sbr.rel $0x88, $3  }
0x1: {  	(tag) =	ssettag $0x0;
	lr =	simm.s32 $0x1  }
0x2: {  	[smem:$0x3FA0] =	sst lr;
	_ =	strace $0xD0000000  }
0x3: {  	_ = 	snop  }
0x4: {  	_ = 	snop  }
0x5: {  	_ = 	snop  }
0x6: {  	_ = 	snop  }
0x7: {  	_ = 	snop  }
__scs_overlays_trampoline_lowered:
0x8: {  	[smem:$0x3FAF] =	sst s0  }
0x9: {  	[smem:$0x3FB0] =	sst s1  }
0xa: {  	[smem:$0x3FB1] =	sst s2  }
0xb: {  	[smem:$0x3FB2] =	sst s3  }
0xc: {  	[smem:$0x3FB3] =	sst s4  }
0xd: {  	[smem:$0x3FB4] =	sst s5  }
0xe: {  	[smem:$0x3FB5] =	sst s6  }
0xf: {  	[smem:$0x3FB6] =	sst s7  }
0x10: {  	[smem:$0x3FB7] =	sst s8  }
0x11: {  	[smem:$0x3FB8] =	sst s9;
	s0 =	simm.s32 @!p0 $0x0  }
0x12: {  	s1 =	sld [smem:$0x3F9E];
	s0 =	simm.s32 @p0 $0x1  }
0x13: {  	[smem:$0x3FB9] =	sst s0;
	s0 =	simm.s32 @!p1 $0x0  }
0x14: {  	s2 =	sld [smem:$0x3F9D];
	s0 =	simm.s32 @p1 $0x1  }
0x15: {  	[smem:$0x3FBA] =	sst s0;
	s0 =	simm.s32 @!p2 $0x0  }
0x16: {  	s3 =	sld [smem:$0x3FDB];
	s0 =	simm.s32 @p2 $0x1  }
0x17: {  	s4 =	simm.s32 $0x1BF5;
	[smem:$0x3FBC] =	sst s0  }
0x18: {  	s0 =	sld [smem:$0x3F9F];
	_ =	swait.ge [sflag:s4], $0x0  }
0x19: {  	s7 =	sld [smem:$0x3FA0]  }
0x1a: {  	s8 =	sadd.s32 $0xFFFFE003, lr  }
0x1b: {  	s9 =	sadd.s32 $0xFFFFFEF7, lr;
	s5 =	simm.s32 $0xFFFFFFFF;
	p2 =	slt.u32 s8, $0xFFFFF086  }
0x1c: {  	p1 =	slt.u32 s9, $0xF7A;
	s5 =	simm.s32 @!p2 $0x0  }
0x1d: {  	s5 =	simm.s32 @p1 $0x1;
	p0 =	seq.s32 s7, s2  }
0x1e: {  	s7 =	smul.u32 @!p0 $0xF7A, s2;
	p2 =	seq.s32 @!p0 s5, $0x0  }
0x1f: {  	s9 =	smul.u32 $0xF7A, s1;
	s8 =	simm.s32 @!p0 $0x1BF5;
	p2 =	por !p2, p0  }
0x20: {  	[sflag:s8] =	ssyncset.s32 @!p0 $0xFFFFF086;
	s6 =	sadd.s32 @!p0 s3, s7;
	s7 =	simm.s32 @!p0 $0x108  }
0x21: {  	s3 =	sadd.s32 s3, s9;
	s6 =	sadd.s32 @!p0 $0x88, s6;
	s7 =	simm.s32 @p2 $0x1082  }
0x22: {  	[simem:s7], [sflag:s8] =	dma.local @!p0 [hbm:s6], $0xF7A  }
0x23: {  	s9 =	sor.u32 $0xD0000000, s2;
	s6 =	simm.s32 $0x108;
	_ =	swait.ge @!p0 [sflag:s8], $0x0  }
0x24: {  	s3 =	sadd.s32 $0x88, s3;
	s6 =	simm.s32 @!p1 $0x1082;
	[sflag:s4] =	ssyncset.s32 $0xFFFFF086  }
0x25: {  	[simem:s6], [sflag:s4] =	dma.local [hbm:s3], $0xF7A  }
0x26: {  	[smem:$0x3FA0] =	sst s1;
	(tag) =	ssettag s2;
	_ =	strace s9  }
0x27: {  	s1 =	sld [smem:$0x3FB0]  }
0x28: {  	s2 =	sld [smem:$0x3FB1]  }
0x29: {  	s4 =	sld [smem:$0x3FB3]  }
0x2a: {  	p0 =	seq.s32 s5, $0x0;
	s5 =	sld [smem:$0x3FB4]  }
0x2b: {  	s6 =	sld [smem:$0x3FB5]  }
0x2c: {  	s7 =	sld [smem:$0x3FB6]  }
0x2d: {  	s3 =	simm.s32 $0x108;
	s8 =	sld [smem:$0x3FB7]  }
0x2e: {  	s3 =	simm.s32 @!p0 $0x1082;
	s9 =	sld [smem:$0x3FB8]  }
0x2f: {  	lr =	sadd.s32 s0, s3;
	s0 =	sld [smem:$0x3FAF]  }
0x30: {  	s3 =	sld [smem:$0x3FB2]  }
0x31: {  	[smem:$0x3FBB] =	sst s10  }
0x32: {  	s10 =	sld [smem:$0x3FB9];
	_ =	sdelay $0x3  }
0x33: {  	p0 =	seq.s32 s10, $0x1;
	s10 =	sld [smem:$0x3FBB];
	_ =	sdelay $0x3  }
0x34: {  	[smem:$0x3FBB] =	sst s10  }
0x35: {  	s10 =	sld [smem:$0x3FBA];
	_ =	sdelay $0x3  }
0x36: {  	p1 =	seq.s32 s10, $0x1;
	s10 =	sld [smem:$0x3FBB];
	_ =	sdelay $0x3  }
0x37: {  	[smem:$0x3FBB] =	sst s10  }
0x38: {  	s10 =	sld [smem:$0x3FBC]  }
0x39: {  	_ = 	snop;
	(pc) =	sbr.ind lr, $3  }
0x3a: {  	_ = 	snop  }
0x3b: {  	_ = 	snop  }
0x3c: {  	p2 =	seq.s32 s10, $0x1;
	s10 =	sld [smem:$0x3FBB]  }
0x3d: {  	_ =	shalt  }
0x3e: {  	_ =	shalt  }
0x3f: {  	_ =	shalt  }
0x40: {  	_ =	shalt  }
0x41: {  	_ =	shalt  }
0x42: {  	_ =	shalt  }
0x43: {  	_ =	shalt  }
0x44: {  	_ =	shalt  }
0x45: {  	_ =	shalt  }
0x46: {  	_ =	shalt  }
0x47: {  	_ =	shalt  }
0x48: {  	_ =	shalt  }
0x49: {  	_ =	shalt  }
0x4a: {  	_ =	shalt  }
0x4b: {  	_ =	shalt  }
0x4c: {  	_ =	shalt  }
0x4d: {  	_ =	shalt  }
0x4e: {  	_ =	shalt  }
0x4f: {  	_ =	shalt  }
0x50: {  	_ =	shalt  }
0x51: {  	_ =	shalt  }
0x52: {  	_ =	shalt  }
0x53: {  	_ =	shalt  }
0x54: {  	_ =	shalt  }
0x55: {  	_ =	shalt  }
0x56: {  	_ =	shalt  }
0x57: {  	_ =	shalt  }
0x58: {  	_ =	shalt  }
0x59: {  	_ =	shalt  }
0x5a: {  	_ =	shalt  }
0x5b: {  	_ =	shalt  }
0x5c: {  	_ =	shalt  }
0x5d: {  	_ =	shalt  }
0x5e: {  	_ =	shalt  }
0x5f: {  	_ =	shalt  }
0x60: {  	_ =	shalt  }
0x61: {  	_ =	shalt  }
0x62: {  	_ =	shalt  }
0x63: {  	_ =	shalt  }
0x64: {  	_ =	shalt  }
0x65: {  	_ =	shalt  }
0x66: {  	_ =	shalt  }
0x67: {  	_ =	shalt  }
0x68: {  	_ =	shalt  }
0x69: {  	_ =	shalt  }
0x6a: {  	_ =	shalt  }
0x6b: {  	_ =	shalt  }
0x6c: {  	_ =	shalt  }
0x6d: {  	_ =	shalt  }
0x6e: {  	_ =	shalt  }
0x6f: {  	_ =	shalt  }
0x70: {  	_ =	shalt  }
0x71: {  	_ =	shalt  }
0x72: {  	_ =	shalt  }
0x73: {  	_ =	shalt  }
0x74: {  	_ =	shalt  }
0x75: {  	_ =	shalt  }
0x76: {  	_ =	shalt  }
0x77: {  	_ =	shalt  }
0x78: {  	_ =	shalt  }
0x79: {  	_ =	shalt  }
0x7a: {  	_ =	shalt  }
0x7b: {  	_ =	shalt  }
0x7c: {  	_ =	shalt  }
0x7d: {  	_ =	shalt  }
0x7e: {  	_ =	shalt  }
0x7f: {  	_ =	shalt  }
0x80: {  	_ =	shalt  }
0x81: {  	_ =	shalt  }
0x82: {  	_ =	shalt  }
0x83: {  	_ =	shalt  }
0x84: {  	_ =	shalt  }
0x85: {  	_ =	shalt  }
0x86: {  	_ =	shalt  }
0x87: {  	_ =	shalt  }
.Lfunc_end0:
.L_simem_size_0:
called_computation.1_lowered:
.L_overlay_start_0:
0x88: {  	s2 =	sld [smem:$0x3FD9]  }
0x89: {  	s3 =	sld [smem:$0x3FFE];
	_ =	sdelay $0x1  }
0x8a: {  	s1 =	srdreg.scid  }
0x8b: {  	s0 =	sand.u32 $0x1, s1  }
0x8c: {  	s17 =	sshll.u32 s0, $0xA;
	s2 =	sadd.s32 s3, s2  }
0x8d: {  	s2 =	sadd.s32 s2, s17  }
0x8e: {  	[smem:$0x3FC7] =	sst s2  }
0x8f: {  	_ = 	snop  }
0x90: {  	s2 =	sld [smem:$0x3FD0];
	(tm) =	ssettm $0x1  }
0x91: {  	s18 =	sld [smem:$0x3FFB];
	_ =	sdelay $0x3  }
0x92: {  	_ =	strace s18  }
0x93: {  	s3 =	sld [smem:$0x3FFC];
	_ =	sdelay $0x3  }
0x94: {  	_ =	strace s3  }
0x95: {  	s3 =	sld [smem:$0x3FFD];
	_ =	sdelay $0x3  }
0x96: {  	_ =	strace s3  }
0x97: {  	_ =	strace $0x8FFFFFFF  }
0x98: {  	s19 =	sld [smem:$0x3FDB];
	_ =	sdelay $0x1  }
0x99: {  	s4 =	simm.s32 $_scs_section_size  }
0x9a: {  	s5 =	simm.s32 $_size__tile_overlayer_lowered;
	s6 =	simm.s32 $_tile_overlayer_lowered  }
0x9b: {  	s22 =	simm.s32 $0x1BFF;
	s21 =	sshll.u32 s6, $0x1;
	s3 =	sadd.s32 s4, s19  }
0x9c: {  	s7 =	simm.s32 $0x0;
	s20 =	sshll.u32 s5, $0x1;
	s5 =	sadd.s32 s21, s3  }
0x9d: {  	[timem:s7], [sflag:s22] =	dma.local [hbm:s5], s20  }
0x9e: {  	_ =	swait.ge [sflag:s22], s20  }
0x9f: {  	s4 =	ssub.s32 $0x0, s20;
	[sflag:s22] =	ssyncset.done $0x0  }
0xa0: {  	[sflag:s22] =	ssyncadd.s32 s4;
	_ =	sdelay $0x1  }
0xa1: {  	s23 =	simm.s32 $0x1B8B  }
0xa2: {  	_ =	swait.ge [sflag:s23], $0x1  }
0xa3: {  	[sflag:s23] =	ssyncset.done $0x0  }
0xa4: {  	s25 =	simm.s32 $0x1B8E;
	s24 =	sld [smem:$0x3FFE];
	[sflag:s23] =	ssyncadd.s32 $0xFFFFFFFF  }
0xa5: {  	s26 =	simm.s32 $execute0_lowered;
	[smem:$0x3FD2] =	sst s25  }
0xa6: {  	s5 =	sshll.u32 s26, $0x1;
	_ =	strace $0x80000046;
	[dreg:$0x1] =	wrdreg $0xFFFFFFFF  }
0xa7: {  	s28 =	simm.s32 $_size_execute0_lowered;
	s3 =	sadd.s32 s3, s5;
	[dreg:$0x0] =	wrdreg $0x0  }
0xa8: {  	s5 =	sshll.u32 s28, $0x1;
	[dreg:$0x2] =	wrdreg s3  }
0xa9: {  	[dreg:$0x3] =	wrdreg s5  }
0xaa: {  	[dreg:$0x4] =	wrdreg $0xC0  }
0xab: {  	_ =	task [dreg:s7], $0x5FFFF  }
0xac: {  	[dreg:$0x1] =	wrdreg $0xFFFFFFFF  }
0xad: {  	[dreg:$0x0] =	wrdreg $0x60  }
0xae: {  	[dreg:$0x2] =	wrdreg s24  }
0xaf: {  	[dreg:$0x3] =	wrdreg s2  }
0xb0: {  	[dreg:$0x4] =	wrdreg $0x9  }
0xb1: {  	_ =	task.clear_ibuf [dreg:s7], $0x5FFFF;
	_ =	strace $0x90000046  }
0xb2: {  	s29 =	simm.s32 $0x9;
	_ =	strace $0x80000048  }
0xb3: {  	_ =	swait.ge [sflag:s29], $0x1  }
0xb4: {  	[sflag:s29] =	ssyncadd.s32 $0xFFFFFFFF  }
0xb5: {  	_ =	strace $0x90000048  }
0xb6: {  	_ =	sfence  }
0xb7: {  	s30 =	sld [smem:$0x0];
	_ =	sdelay $0x2  }
0xb8: {  	s31 =	sshll.u32 s1, $0xD;
	s1 =	sshrl.u32 s1, $0x2  }
0xb9: {  	s3 =	sand.u32 $0x4000, s31;
	s1 =	sadd.s32 s1, s30  }
0xba: {  	s0 =	sor.u32 s3, s0;
	s1 =	sshll.u32 s1, $0x11  }
0xbb: {  	s0 =	sor.u32 s1, s0  }
0xbc: {  	s0 =	sadd.s32 $0x8F2B, s0  }
0xbd: {  	[sflag:s0] =	ssyncadd.remote.s32 $0x1  }
0xbe: {  	_ =	sfence.sel $0xFFFF  }
0xbf: {  	[dreg:$0x0] =	wrdreg $0xFFFFFFFF;
	(pc) =	sbr.abs _section_cstart, $3  }
0xc0: {  	[dreg:$0x1] =	wrdreg $0xFFFFFFFF  }
0xc1: {  	_ =	task.clear_ibuf [dreg:s7], $0x2FFFF;
	_ =	strace $0x9FFFFFFF  }
0xc2: {  	(tm) =	ssettm $0x7FFFFFFF  }
0xc3: {  	_ =	shalt  }
tec
execute0_lowered:
.L_overlay_start_1:
0x0: {  	(tag) =	ssettag $0x1  }
0x1: {  	s5 =	rddreg [dreg:$0x0]  }
0x2: {  	s9 =	rddreg [dreg:$0x1]  }
0x3: {  	s0 =	rddreg [dreg:$0x2]  }
0x4: {  	s3 =	srdreg.scid;
	s2 =	simm.s32 $0x0;
	s1 =	stileid.u32  }
0x5: {  	s15 =	simm.s32 $0x700;
	s16 =	simm.s32 $0x3A90;
	s17 =	simm.s32 $0x1C0  }
0x6: {  	s18 =	simm.s32 $0x1;
	s19 =	simm.s32 $0x2;
	s20 =	simm.s32 $0x3  }
0x7: {  	s21 =	simm.s32 $0x4;
	s22 =	simm.s32 $0x0;
	s8 =	sand.u32 $0x1, s3  }
0x8: {  	[smem:$0x7FF] =	sst s2;
	s26 =	sshll.u32 s1, $0x8;
	s10 =	smul.u32 $0x1B800, s1  }
0x9: {  	v0 =	vlaneseq.u32;
	s11 =	sadd.s32 $0x1400, s5;
	s3 =	sadd.s32 $0x38600, s5;
	s14 =	smul.u32 $0x67200, s1  }
0xa: {  	v1 =	vor.u32 $0x10, v0;
	v2 =	vor.u32 $0x20, v0;
	v3 =	vor.u32 $0x30, v0;
	s4 =	sshll.u32 s8, $0x7;
	_ =	strace $0x80000047;
	s13 =	smul.u32 $0xDC00, s8  }
0xb: {  	v4 =	vor.u32 $0x40, v0;
	v5 =	vor.u32 $0x50, v0;
	v6 =	vor.u32 $0x60, v0;
	s7 =	ssub.s32 $0x2, s8;
	s28 =	smul.u32 $0x33900, s8;
	s4 =	sor.u32 s4, s26  }
0xc: {  	v7 =	vor.u32 $0x70, v0;
	v8 =	vor.u32 $0x80, v0;
	v9 =	vor.u32 $0x90, v0;
	s12 =	sshrl.u32 s7, $0x1;
	s9 =	sadd.s32 s14, s9;
	s14 =	simm.s32 $0x540  }
0xd: {  	v10 =	vor.u32 $0xA0, v0;
	v11 =	vor.u32 $0xB0, v0;
	v12 =	vor.u32 $0xC0, v0;
	s6 =	smul.u32 $0x37, s4;
	s4 =	sadd.s32 $0x38400, s5;
	s5 =	sadd.s32 $0xC00, s5  }
0xe: {  	v13 =	vor.u32 $0xD0, v0;
	v14 =	vor.u32 $0xE0, v0;
	v15 =	vor.u32 $0xF0, v0;
	s12 =	ssub.s32 s7, s12;
	s10 =	sadd.s32 s13, s10;
	s13 =	sadd.s32 s28, s9  }
0xf: {  	v16 =	vor.u32 $0x100, v0;
	v17 =	vor.u32 $0x110, v0;
	v18 =	vor.u32 $0x120, v0;
	s8 =	smax.u32 s12, $0x1;
	s29 =	sadd.s32 $0x528, s10;
	s30 =	sor.u32 $0x370, s10  }
0x10: {  	v19 =	vor.u32 $0x130, v0;
	v20 =	vor.u32 $0x140, v0;
	v21 =	vor.u32 $0x150, v0;
	s10 =	sadd.s32 $0x672, s13;
	s13 =	simm.s32 $0x5;
	s6 =	sadd.s32 s11, s6  }
0x11: {  	v22 =	vor.u32 $0x160, v0;
	v23 =	vor.u32 $0x170, v0;
	v24 =	vor.u32 $0x180, v0;
	s12 =	sshrl.u32 s29, $0x3;
	s31 =	sshrl.u32 s30, $0x3;
	s7 =	sadd.s32 $0x37, s6  }
0x12: {  	v25 =	vor.u32 $0x190, v0;
	v26 =	vor.u32 $0x1A0, v0;
	v27 =	vor.u32 $0x1B0, v0;
	s9 =	sadd.s32 s12, s11;
	s11 =	sadd.s32 s31, s11;
	s12 =	simm.s32 $0x380  }
.LBB2_1:
0x13: {  	[tilespmem:s12], [sflag:$0x5] =	stream.linear.gather [hbm4b:s3+s2], $0x1C0, $0x38;
	[tilespmem:$0x6E20] =	vst v63  }
0x14: {  	_ =	swait.ge [sflag:s13], $0x1C0  }
0x15: {  	[sflag:s13] =	ssyncset.done $0x0  }
0x16: {  	[sflag:s13] =	ssyncadd.s32 $0xFFFFFE40  }
0x17: {  	[tilespmem:s14], [sflag:$0x5] =	stream.linear.gather [hbm4b:s4+s2], $0x1C0, $0x38;
	[tilespmem:$0x6E20] =	vst v63  }
0x18: {  	_ =	swait.ge [sflag:s13], $0x1C0  }
0x19: {  	[sflag:s13] =	ssyncset.done $0x0  }
0x1a: {  	[sflag:s13] =	ssyncadd.s32 $0xFFFFFE40  }
0x1b: {  	[tilespmem:s15], [sflag:$0x5] =	stream.linear.gather [hbm4b:s5+s2], $0x3390, $0x38;
	[tilespmem:$0x6E20] =	vst v63  }
0x1c: {  	_ =	swait.ge [sflag:s13], $0x3390  }
0x1d: {  	[sflag:s13] =	ssyncset.done $0x0  }
0x1e: {  	[sflag:s13] =	ssyncadd.s32 $0xFFFFCC70  }
0x1f: {  	[tilespmem:s2], [sflag:$0x1] =	stream.linear.gather [hbm4b:s6+s2], $0x1B3, $0x38;
	[tilespmem:$0x6E20] =	vst v63  }
0x20: {  	_ = 	snop  }
0x21: {  	[tilespmem:s16], [sflag:$0x5] =	stream.linear.gather [hbm4b:s5+s2], $0x3390, $0x38;
	[tilespmem:$0x6E20] =	vst v63  }
0x22: {  	_ =	swait.ge [sflag:s13], $0x3390  }
0x23: {  	[sflag:s13] =	ssyncset.done $0x0  }
0x24: {  	s23 =	smov.u32 s10;
	s24 =	simm.s32 $0x0;
	[sflag:s13] =	ssyncadd.s32 $0xFFFFCC70  }
0x25: {  	[tilespmem:s17], [sflag:$0x2] =	stream.linear.gather [hbm4b:s7+s2], $0x1B3, $0x38;
	[tilespmem:$0x6E20] =	vst v63  }
.LBB2_2:
0x26: {  	p0 =	seq.s32 s24, $0x0  }
0x27: {  	s25 =	simm.s32 @!p0 $0x3  }
0x28: {  	_ =	swait.ge @!p0 [sflag:s25], $0x3390  }
0x29: {  	[sflag:s25] =	ssyncset.done @!p0 $0x0  }
0x2a: {  	[sflag:s25] =	ssyncadd.s32 @!p0 $0xFFFFCC70  }
0x2b: {  	_ =	swait.ge [sflag:s18], $0x1B3  }
0x2c: {  	[sflag:s18] =	ssyncset.done $0x0  }
0x2d: {  	[sflag:s18] =	ssyncadd.s32 $0xFFFFFE4D  }
0x2e: {  	v28 =	vld [tilespmem:$0x380]  }
0x2f: {  	v29 =	vld [tilespmem:$0x540];
	_ =	sdelay $0x3  }
0x30: {  	v30 =	vld [tilespmem:$0x0];
	v28 =	vmul.u32 $0x1B8, v28  }
0x31: {  	v29 =	vmul.u32 $0x1B8, v29  }
0x32: {  	v28 =	vadd.s32 v0, v28  }
0x33: {  	v29 =	vadd.s32 v0, v29;
	_ =	sdelay $0x1  }
0x34: {  	v30 =	vmul.f32 $5.000000000e-01, v30;
	_ =	sdelay $0x1  }
0x35: {  	[tilespmem:v28+s15+$0x0] =	vst.idx.msk $0xffff, v30  }
0x36: {  	[tilespmem:v29+s15+$0x0] =	vst.idx.msk $0xffff, v30  }
0x37: {  	v28 =	vld [tilespmem:$0x390]  }
0x38: {  	v29 =	vld [tilespmem:$0x550];
	_ =	sdelay $0x3  }
0x39: {  	v30 =	vld [tilespmem:$0x10];
	v28 =	vmul.u32 $0x1B8, v28  }
0x3a: {  	v29 =	vmul.u32 $0x1B8, v29  }
0x3b: {  	v28 =	vadd.s32 v1, v28  }
0x3c: {  	v29 =	vadd.s32 v1, v29;
	_ =	sdelay $0x1  }
0x3d: {  	v30 =	vmul.f32 $5.000000000e-01, v30;
	_ =	sdelay $0x1  }
0x3e: {  	[tilespmem:v28+s15+$0x0] =	vst.idx.msk $0xffff, v30  }
0x3f: {  	[tilespmem:v29+s15+$0x0] =	vst.idx.msk $0xffff, v30  }
0x40: {  	v28 =	vld [tilespmem:$0x3A0]  }
0x41: {  	v29 =	vld [tilespmem:$0x560];
	_ =	sdelay $0x3  }
0x42: {  	v30 =	vld [tilespmem:$0x20];
	v28 =	vmul.u32 $0x1B8, v28  }
0x43: {  	v29 =	vmul.u32 $0x1B8, v29  }
0x44: {  	v28 =	vadd.s32 v2, v28  }
0x45: {  	v29 =	vadd.s32 v2, v29;
	_ =	sdelay $0x1  }
0x46: {  	v30 =	vmul.f32 $5.000000000e-01, v30;
	_ =	sdelay $0x1  }
0x47: {  	[tilespmem:v28+s15+$0x0] =	vst.idx.msk $0xffff, v30  }
0x48: {  	[tilespmem:v29+s15+$0x0] =	vst.idx.msk $0xffff, v30  }
0x49: {  	v28 =	vld [tilespmem:$0x3B0]  }
0x4a: {  	v29 =	vld [tilespmem:$0x570];
	_ =	sdelay $0x3  }
0x4b: {  	v30 =	vld [tilespmem:$0x30];
	v28 =	vmul.u32 $0x1B8, v28  }
0x4c: {  	v29 =	vmul.u32 $0x1B8, v29  }
0x4d: {  	v28 =	vadd.s32 v3, v28  }
0x4e: {  	v29 =	vadd.s32 v3, v29;
	_ =	sdelay $0x1  }
0x4f: {  	v30 =	vmul.f32 $5.000000000e-01, v30;
	_ =	sdelay $0x1  }
0x50: {  	[tilespmem:v28+s15+$0x0] =	vst.idx.msk $0xffff, v30  }
0x51: {  	[tilespmem:v29+s15+$0x0] =	vst.idx.msk $0xffff, v30  }
0x52: {  	v28 =	vld [tilespmem:$0x3C0]  }
0x53: {  	v29 =	vld [tilespmem:$0x580];
	_ =	sdelay $0x3  }
0x54: {  	v30 =	vld [tilespmem:$0x40];
	v28 =	vmul.u32 $0x1B8, v28  }
0x55: {  	v29 =	vmul.u32 $0x1B8, v29  }
0x56: {  	v28 =	vadd.s32 v4, v28  }
0x57: {  	v29 =	vadd.s32 v4, v29;
	_ =	sdelay $0x1  }
0x58: {  	v30 =	vmul.f32 $5.000000000e-01, v30;
	_ =	sdelay $0x1  }
0x59: {  	[tilespmem:v28+s15+$0x0] =	vst.idx.msk $0xffff, v30  }
0x5a: {  	[tilespmem:v29+s15+$0x0] =	vst.idx.msk $0xffff, v30  }
0x5b: {  	v28 =	vld [tilespmem:$0x3D0]  }
0x5c: {  	v29 =	vld [tilespmem:$0x590];
	_ =	sdelay $0x3  }
0x5d: {  	v30 =	vld [tilespmem:$0x50];
	v28 =	vmul.u32 $0x1B8, v28  }
0x5e: {  	v29 =	vmul.u32 $0x1B8, v29  }
0x5f: {  	v28 =	vadd.s32 v5, v28  }
0x60: {  	v29 =	vadd.s32 v5, v29;
	_ =	sdelay $0x1  }
0x61: {  	v30 =	vmul.f32 $5.000000000e-01, v30;
	_ =	sdelay $0x1  }
0x62: {  	[tilespmem:v28+s15+$0x0] =	vst.idx.msk $0xffff, v30  }
0x63: {  	[tilespmem:v29+s15+$0x0] =	vst.idx.msk $0xffff, v30  }
0x64: {  	v28 =	vld [tilespmem:$0x3E0]  }
0x65: {  	v29 =	vld [tilespmem:$0x5A0];
	_ =	sdelay $0x3  }
0x66: {  	v30 =	vld [tilespmem:$0x60];
	v28 =	vmul.u32 $0x1B8, v28  }
0x67: {  	v29 =	vmul.u32 $0x1B8, v29  }
0x68: {  	v28 =	vadd.s32 v6, v28  }
0x69: {  	v29 =	vadd.s32 v6, v29;
	_ =	sdelay $0x1  }
0x6a: {  	v30 =	vmul.f32 $5.000000000e-01, v30;
	_ =	sdelay $0x1  }
0x6b: {  	[tilespmem:v28+s15+$0x0] =	vst.idx.msk $0xffff, v30  }
0x6c: {  	[tilespmem:v29+s15+$0x0] =	vst.idx.msk $0xffff, v30  }
0x6d: {  	v28 =	vld [tilespmem:$0x3F0]  }
0x6e: {  	v29 =	vld [tilespmem:$0x5B0];
	_ =	sdelay $0x3  }
0x6f: {  	v30 =	vld [tilespmem:$0x70];
	v28 =	vmul.u32 $0x1B8, v28  }
0x70: {  	v29 =	vmul.u32 $0x1B8, v29  }
0x71: {  	v28 =	vadd.s32 v7, v28  }
0x72: {  	v29 =	vadd.s32 v7, v29;
	_ =	sdelay $0x1  }
0x73: {  	v30 =	vmul.f32 $5.000000000e-01, v30;
	_ =	sdelay $0x1  }
0x74: {  	[tilespmem:v28+s15+$0x0] =	vst.idx.msk $0xffff, v30  }
0x75: {  	[tilespmem:v29+s15+$0x0] =	vst.idx.msk $0xffff, v30  }
0x76: {  	v28 =	vld [tilespmem:$0x400]  }
0x77: {  	v29 =	vld [tilespmem:$0x5C0];
	_ =	sdelay $0x3  }
0x78: {  	v30 =	vld [tilespmem:$0x80];
	v28 =	vmul.u32 $0x1B8, v28  }
0x79: {  	v29 =	vmul.u32 $0x1B8, v29  }
0x7a: {  	v28 =	vadd.s32 v8, v28  }
0x7b: {  	v29 =	vadd.s32 v8, v29;
	_ =	sdelay $0x1  }
0x7c: {  	v30 =	vmul.f32 $5.000000000e-01, v30;
	_ =	sdelay $0x1  }
0x7d: {  	[tilespmem:v28+s15+$0x0] =	vst.idx.msk $0xffff, v30  }
0x7e: {  	[tilespmem:v29+s15+$0x0] =	vst.idx.msk $0xffff, v30  }
0x7f: {  	v28 =	vld [tilespmem:$0x410]  }
0x80: {  	v29 =	vld [tilespmem:$0x5D0];
	_ =	sdelay $0x3  }
0x81: {  	v30 =	vld [tilespmem:$0x90];
	v28 =	vmul.u32 $0x1B8, v28  }
0x82: {  	v29 =	vmul.u32 $0x1B8, v29  }
0x83: {  	v28 =	vadd.s32 v9, v28  }
0x84: {  	v29 =	vadd.s32 v9, v29;
	_ =	sdelay $0x1  }
0x85: {  	v30 =	vmul.f32 $5.000000000e-01, v30;
	_ =	sdelay $0x1  }
0x86: {  	[tilespmem:v28+s15+$0x0] =	vst.idx.msk $0xffff, v30  }
0x87: {  	[tilespmem:v29+s15+$0x0] =	vst.idx.msk $0xffff, v30  }
0x88: {  	v28 =	vld [tilespmem:$0x420]  }
0x89: {  	v29 =	vld [tilespmem:$0x5E0];
	_ =	sdelay $0x3  }
0x8a: {  	v30 =	vld [tilespmem:$0xA0];
	v28 =	vmul.u32 $0x1B8, v28  }
0x8b: {  	v29 =	vmul.u32 $0x1B8, v29  }
0x8c: {  	v28 =	vadd.s32 v10, v28  }
0x8d: {  	v29 =	vadd.s32 v10, v29;
	_ =	sdelay $0x1  }
0x8e: {  	v30 =	vmul.f32 $5.000000000e-01, v30;
	_ =	sdelay $0x1  }
0x8f: {  	[tilespmem:v28+s15+$0x0] =	vst.idx.msk $0xffff, v30  }
0x90: {  	[tilespmem:v29+s15+$0x0] =	vst.idx.msk $0xffff, v30  }
0x91: {  	v28 =	vld [tilespmem:$0x430]  }
0x92: {  	v29 =	vld [tilespmem:$0x5F0];
	_ =	sdelay $0x3  }
0x93: {  	v30 =	vld [tilespmem:$0xB0];
	v28 =	vmul.u32 $0x1B8, v28  }
0x94: {  	v29 =	vmul.u32 $0x1B8, v29  }
0x95: {  	v28 =	vadd.s32 v11, v28  }
0x96: {  	v29 =	vadd.s32 v11, v29;
	_ =	sdelay $0x1  }
0x97: {  	v30 =	vmul.f32 $5.000000000e-01, v30;
	_ =	sdelay $0x1  }
0x98: {  	[tilespmem:v28+s15+$0x0] =	vst.idx.msk $0xffff, v30  }
0x99: {  	[tilespmem:v29+s15+$0x0] =	vst.idx.msk $0xffff, v30  }
0x9a: {  	v28 =	vld [tilespmem:$0x440]  }
0x9b: {  	v29 =	vld [tilespmem:$0x600];
	_ =	sdelay $0x3  }
0x9c: {  	v30 =	vld [tilespmem:$0xC0];
	v28 =	vmul.u32 $0x1B8, v28  }
0x9d: {  	v29 =	vmul.u32 $0x1B8, v29  }
0x9e: {  	v28 =	vadd.s32 v12, v28  }
0x9f: {  	v29 =	vadd.s32 v12, v29;
	_ =	sdelay $0x1  }
0xa0: {  	v30 =	vmul.f32 $5.000000000e-01, v30;
	_ =	sdelay $0x1  }
0xa1: {  	[tilespmem:v28+s15+$0x0] =	vst.idx.msk $0xffff, v30  }
0xa2: {  	[tilespmem:v29+s15+$0x0] =	vst.idx.msk $0xffff, v30  }
0xa3: {  	v28 =	vld [tilespmem:$0x450]  }
0xa4: {  	v29 =	vld [tilespmem:$0x610];
	_ =	sdelay $0x3  }
0xa5: {  	v30 =	vld [tilespmem:$0xD0];
	v28 =	vmul.u32 $0x1B8, v28  }
0xa6: {  	v29 =	vmul.u32 $0x1B8, v29  }
0xa7: {  	v28 =	vadd.s32 v13, v28  }
0xa8: {  	v29 =	vadd.s32 v13, v29;
	_ =	sdelay $0x1  }
0xa9: {  	v30 =	vmul.f32 $5.000000000e-01, v30;
	_ =	sdelay $0x1  }
0xaa: {  	[tilespmem:v28+s15+$0x0] =	vst.idx.msk $0xffff, v30  }
0xab: {  	[tilespmem:v29+s15+$0x0] =	vst.idx.msk $0xffff, v30  }
0xac: {  	v28 =	vld [tilespmem:$0x460]  }
0xad: {  	v29 =	vld [tilespmem:$0x620];
	_ =	sdelay $0x3  }
0xae: {  	v30 =	vld [tilespmem:$0xE0];
	v28 =	vmul.u32 $0x1B8, v28  }
0xaf: {  	v29 =	vmul.u32 $0x1B8, v29  }
0xb0: {  	v28 =	vadd.s32 v14, v28  }
0xb1: {  	v29 =	vadd.s32 v14, v29;
	_ =	sdelay $0x1  }
0xb2: {  	v30 =	vmul.f32 $5.000000000e-01, v30;
	_ =	sdelay $0x1  }
0xb3: {  	[tilespmem:v28+s15+$0x0] =	vst.idx.msk $0xffff, v30  }
0xb4: {  	[tilespmem:v29+s15+$0x0] =	vst.idx.msk $0xffff, v30  }
0xb5: {  	v28 =	vld [tilespmem:$0x470]  }
0xb6: {  	v29 =	vld [tilespmem:$0x630];
	_ =	sdelay $0x3  }
0xb7: {  	v30 =	vld [tilespmem:$0xF0];
	v28 =	vmul.u32 $0x1B8, v28  }
0xb8: {  	v29 =	vmul.u32 $0x1B8, v29  }
0xb9: {  	v28 =	vadd.s32 v15, v28  }
0xba: {  	v29 =	vadd.s32 v15, v29;
	_ =	sdelay $0x1  }
0xbb: {  	v30 =	vmul.f32 $5.000000000e-01, v30;
	_ =	sdelay $0x1  }
0xbc: {  	[tilespmem:v28+s15+$0x0] =	vst.idx.msk $0xffff, v30  }
0xbd: {  	[tilespmem:v29+s15+$0x0] =	vst.idx.msk $0xffff, v30  }
0xbe: {  	v28 =	vld [tilespmem:$0x480]  }
0xbf: {  	v29 =	vld [tilespmem:$0x640];
	_ =	sdelay $0x3  }
0xc0: {  	v30 =	vld [tilespmem:$0x100];
	v28 =	vmul.u32 $0x1B8, v28  }
0xc1: {  	v29 =	vmul.u32 $0x1B8, v29  }
0xc2: {  	v28 =	vadd.s32 v16, v28  }
0xc3: {  	v29 =	vadd.s32 v16, v29;
	_ =	sdelay $0x1  }
0xc4: {  	v30 =	vmul.f32 $5.000000000e-01, v30;
	_ =	sdelay $0x1  }
0xc5: {  	[tilespmem:v28+s15+$0x0] =	vst.idx.msk $0xffff, v30  }
0xc6: {  	[tilespmem:v29+s15+$0x0] =	vst.idx.msk $0xffff, v30  }
0xc7: {  	v28 =	vld [tilespmem:$0x490]  }
0xc8: {  	v29 =	vld [tilespmem:$0x650];
	_ =	sdelay $0x3  }
0xc9: {  	v30 =	vld [tilespmem:$0x110];
	v28 =	vmul.u32 $0x1B8, v28  }
0xca: {  	v29 =	vmul.u32 $0x1B8, v29  }
0xcb: {  	v28 =	vadd.s32 v17, v28  }
0xcc: {  	v29 =	vadd.s32 v17, v29;
	_ =	sdelay $0x1  }
0xcd: {  	v30 =	vmul.f32 $5.000000000e-01, v30;
	_ =	sdelay $0x1  }
0xce: {  	[tilespmem:v28+s15+$0x0] =	vst.idx.msk $0xffff, v30  }
0xcf: {  	[tilespmem:v29+s15+$0x0] =	vst.idx.msk $0xffff, v30  }
0xd0: {  	v28 =	vld [tilespmem:$0x4A0]  }
0xd1: {  	v29 =	vld [tilespmem:$0x660];
	_ =	sdelay $0x3  }
0xd2: {  	v30 =	vld [tilespmem:$0x120];
	v28 =	vmul.u32 $0x1B8, v28  }
0xd3: {  	v29 =	vmul.u32 $0x1B8, v29  }
0xd4: {  	v28 =	vadd.s32 v18, v28  }
0xd5: {  	v29 =	vadd.s32 v18, v29;
	_ =	sdelay $0x1  }
0xd6: {  	v30 =	vmul.f32 $5.000000000e-01, v30;
	_ =	sdelay $0x1  }
0xd7: {  	[tilespmem:v28+s15+$0x0] =	vst.idx.msk $0xffff, v30  }
0xd8: {  	[tilespmem:v29+s15+$0x0] =	vst.idx.msk $0xffff, v30  }
0xd9: {  	v28 =	vld [tilespmem:$0x4B0]  }
0xda: {  	v29 =	vld [tilespmem:$0x670];
	_ =	sdelay $0x3  }
0xdb: {  	v30 =	vld [tilespmem:$0x130];
	v28 =	vmul.u32 $0x1B8, v28  }
0xdc: {  	v29 =	vmul.u32 $0x1B8, v29  }
0xdd: {  	v28 =	vadd.s32 v19, v28  }
0xde: {  	v29 =	vadd.s32 v19, v29;
	_ =	sdelay $0x1  }
0xdf: {  	v30 =	vmul.f32 $5.000000000e-01, v30;
	_ =	sdelay $0x1  }
0xe0: {  	[tilespmem:v28+s15+$0x0] =	vst.idx.msk $0xffff, v30  }
0xe1: {  	[tilespmem:v29+s15+$0x0] =	vst.idx.msk $0xffff, v30  }
0xe2: {  	v28 =	vld [tilespmem:$0x4C0]  }
0xe3: {  	v29 =	vld [tilespmem:$0x680];
	_ =	sdelay $0x3  }
0xe4: {  	v30 =	vld [tilespmem:$0x140];
	v28 =	vmul.u32 $0x1B8, v28  }
0xe5: {  	v29 =	vmul.u32 $0x1B8, v29  }
0xe6: {  	v28 =	vadd.s32 v20, v28  }
0xe7: {  	v29 =	vadd.s32 v20, v29;
	_ =	sdelay $0x1  }
0xe8: {  	v30 =	vmul.f32 $5.000000000e-01, v30;
	_ =	sdelay $0x1  }
0xe9: {  	[tilespmem:v28+s15+$0x0] =	vst.idx.msk $0xffff, v30  }
0xea: {  	[tilespmem:v29+s15+$0x0] =	vst.idx.msk $0xffff, v30  }
0xeb: {  	v28 =	vld [tilespmem:$0x4D0]  }
0xec: {  	v29 =	vld [tilespmem:$0x690];
	_ =	sdelay $0x3  }
0xed: {  	v30 =	vld [tilespmem:$0x150];
	v28 =	vmul.u32 $0x1B8, v28  }
0xee: {  	v29 =	vmul.u32 $0x1B8, v29  }
0xef: {  	v28 =	vadd.s32 v21, v28  }
0xf0: {  	v29 =	vadd.s32 v21, v29;
	_ =	sdelay $0x1  }
0xf1: {  	v30 =	vmul.f32 $5.000000000e-01, v30;
	_ =	sdelay $0x1  }
0xf2: {  	[tilespmem:v28+s15+$0x0] =	vst.idx.msk $0xffff, v30  }
0xf3: {  	[tilespmem:v29+s15+$0x0] =	vst.idx.msk $0xffff, v30  }
0xf4: {  	v28 =	vld [tilespmem:$0x4E0]  }
0xf5: {  	v29 =	vld [tilespmem:$0x6A0];
	_ =	sdelay $0x3  }
0xf6: {  	v30 =	vld [tilespmem:$0x160];
	v28 =	vmul.u32 $0x1B8, v28  }
0xf7: {  	v29 =	vmul.u32 $0x1B8, v29  }
0xf8: {  	v28 =	vadd.s32 v22, v28  }
0xf9: {  	v29 =	vadd.s32 v22, v29;
	_ =	sdelay $0x1  }
0xfa: {  	v30 =	vmul.f32 $5.000000000e-01, v30;
	_ =	sdelay $0x1  }
0xfb: {  	[tilespmem:v28+s15+$0x0] =	vst.idx.msk $0xffff, v30  }
0xfc: {  	[tilespmem:v29+s15+$0x0] =	vst.idx.msk $0xffff, v30  }
0xfd: {  	v28 =	vld [tilespmem:$0x4F0]  }
0xfe: {  	v29 =	vld [tilespmem:$0x6B0];
	_ =	sdelay $0x3  }
0xff: {  	v30 =	vld [tilespmem:$0x170];
	v28 =	vmul.u32 $0x1B8, v28  }
0x100: {  	v29 =	vmul.u32 $0x1B8, v29  }
0x101: {  	v28 =	vadd.s32 v23, v28  }
0x102: {  	v29 =	vadd.s32 v23, v29;
	_ =	sdelay $0x1  }
0x103: {  	v30 =	vmul.f32 $5.000000000e-01, v30;
	_ =	sdelay $0x1  }
0x104: {  	[tilespmem:v28+s15+$0x0] =	vst.idx.msk $0xffff, v30  }
0x105: {  	[tilespmem:v29+s15+$0x0] =	vst.idx.msk $0xffff, v30  }
0x106: {  	v28 =	vld [tilespmem:$0x500]  }
0x107: {  	v29 =	vld [tilespmem:$0x6C0];
	_ =	sdelay $0x3  }
0x108: {  	v30 =	vld [tilespmem:$0x180];
	v28 =	vmul.u32 $0x1B8, v28  }
0x109: {  	v29 =	vmul.u32 $0x1B8, v29  }
0x10a: {  	v28 =	vadd.s32 v24, v28  }
0x10b: {  	v29 =	vadd.s32 v24, v29;
	_ =	sdelay $0x1  }
0x10c: {  	v30 =	vmul.f32 $5.000000000e-01, v30;
	_ =	sdelay $0x1  }
0x10d: {  	[tilespmem:v28+s15+$0x0] =	vst.idx.msk $0xffff, v30  }
0x10e: {  	[tilespmem:v29+s15+$0x0] =	vst.idx.msk $0xffff, v30  }
0x10f: {  	v28 =	vld [tilespmem:$0x510]  }
0x110: {  	v29 =	vld [tilespmem:$0x6D0];
	_ =	sdelay $0x3  }
0x111: {  	v30 =	vld [tilespmem:$0x190];
	v28 =	vmul.u32 $0x1B8, v28  }
0x112: {  	v29 =	vmul.u32 $0x1B8, v29  }
0x113: {  	v28 =	vadd.s32 v25, v28  }
0x114: {  	v29 =	vadd.s32 v25, v29;
	_ =	sdelay $0x1  }
0x115: {  	v30 =	vmul.f32 $5.000000000e-01, v30;
	_ =	sdelay $0x1  }
0x116: {  	[tilespmem:v28+s15+$0x0] =	vst.idx.msk $0xffff, v30  }
0x117: {  	[tilespmem:v29+s15+$0x0] =	vst.idx.msk $0xffff, v30  }
0x118: {  	v28 =	vld [tilespmem:$0x520]  }
0x119: {  	v29 =	vld [tilespmem:$0x6E0];
	_ =	sdelay $0x3  }
0x11a: {  	v30 =	vld [tilespmem:$0x1A0];
	v28 =	vmul.u32 $0x1B8, v28  }
0x11b: {  	v29 =	vmul.u32 $0x1B8, v29  }
0x11c: {  	v28 =	vadd.s32 v26, v28  }
0x11d: {  	v29 =	vadd.s32 v26, v29;
	_ =	sdelay $0x1  }
0x11e: {  	v30 =	vmul.f32 $5.000000000e-01, v30;
	_ =	sdelay $0x1  }
0x11f: {  	[tilespmem:v28+s15+$0x0] =	vst.idx.msk $0xffff, v30  }
0x120: {  	[tilespmem:v29+s15+$0x0] =	vst.idx.msk $0xffff, v30  }
0x121: {  	v28 =	vld [tilespmem:$0x530]  }
0x122: {  	v29 =	vld [tilespmem:$0x6F0];
	_ =	sdelay $0x3  }
0x123: {  	v30 =	vld [tilespmem:$0x1B0];
	v28 =	vmul.u32 $0x1B8, v28  }
0x124: {  	v29 =	vmul.u32 $0x1B8, v29  }
0x125: {  	v28 =	vadd.s32 v27, v28  }
0x126: {  	v29 =	vadd.s32 v27, v29;
	_ =	sdelay $0x1  }
0x127: {  	v30 =	vmul.f32 $5.000000000e-01, v30;
	_ =	sdelay $0x1  }
0x128: {  	p1 =	seq.s32 s24, $0x1B12;
	[tilespmem:v28+s15+$0x0] =	vst.idx.msk $0x7, v30  }
0x129: {  	s26 =	sadd.s32 @!p1 s24, s11;
	s25 =	simm.s32 @!p1 $0x0;
	[tilespmem:v29+s15+$0x0] =	vst.idx.msk $0x7, v30  }
0x12a: {  	[tilespmem:s25], [sflag:$0x1] =	stream.linear.gather @!p1 [hbm4b:s26+s25], $0x1B3, $0x38;
	[tilespmem:$0x6E20] =	vst v63  }
0x12b: {  	s31 =	sadd.s32 $0xFFFFF98E, s23;
	s26 =	simm.s32 @!p0 $0x4  }
0x12c: {  	[hbm4b:s31+s2] =	stream.linear.scatter [tilespmem:s15], [sflag:$0x3], $0x3390, $0x38;
	[tilespmem:$0x6E20] =	vst v63  }
0x12d: {  	_ =	swait.ge @!p0 [sflag:s26], $0x3390  }
0x12e: {  	[sflag:s26] =	ssyncset.done @!p0 $0x0  }
0x12f: {  	[sflag:s26] =	ssyncadd.s32 @!p0 $0xFFFFCC70  }
0x130: {  	_ =	swait.ge [sflag:s19], $0x1B3  }
0x131: {  	[sflag:s19] =	ssyncset.done $0x0  }
0x132: {  	[sflag:s19] =	ssyncadd.s32 $0xFFFFFE4D  }
0x133: {  	v28 =	vld [tilespmem:$0x380]  }
0x134: {  	v29 =	vld [tilespmem:$0x540];
	_ =	sdelay $0x3  }
0x135: {  	v63 =	vld [tilespmem:$0x1C0];
	v28 =	vmul.u32 $0x1B8, v28  }
0x136: {  	v29 =	vmul.u32 $0x1B8, v29  }
0x137: {  	v28 =	vadd.s32 v0, v28  }
0x138: {  	v29 =	vadd.s32 v0, v29;
	_ =	sdelay $0x1  }
0x139: {  	v30 =	vmul.f32 $5.000000000e-01, v63;
	_ =	sdelay $0x1  }
0x13a: {  	[tilespmem:v28+s16+$0x0] =	vst.idx.msk $0xffff, v30  }
0x13b: {  	[tilespmem:v29+s16+$0x0] =	vst.idx.msk $0xffff, v30  }
0x13c: {  	v28 =	vld [tilespmem:$0x390]  }
0x13d: {  	v29 =	vld [tilespmem:$0x550];
	_ =	sdelay $0x3  }
0x13e: {  	v30 =	vld [tilespmem:$0x1D0];
	v28 =	vmul.u32 $0x1B8, v28  }
0x13f: {  	v29 =	vmul.u32 $0x1B8, v29  }
0x140: {  	v28 =	vadd.s32 v1, v28  }
0x141: {  	v29 =	vadd.s32 v1, v29;
	_ =	sdelay $0x1  }
0x142: {  	v30 =	vmul.f32 $5.000000000e-01, v30;
	_ =	sdelay $0x1  }
0x143: {  	[tilespmem:v28+s16+$0x0] =	vst.idx.msk $0xffff, v30  }
0x144: {  	[tilespmem:v29+s16+$0x0] =	vst.idx.msk $0xffff, v30  }
0x145: {  	v28 =	vld [tilespmem:$0x3A0]  }
0x146: {  	v29 =	vld [tilespmem:$0x560];
	_ =	sdelay $0x3  }
0x147: {  	v30 =	vld [tilespmem:$0x1E0];
	v28 =	vmul.u32 $0x1B8, v28  }
0x148: {  	v29 =	vmul.u32 $0x1B8, v29  }
0x149: {  	v28 =	vadd.s32 v2, v28  }
0x14a: {  	v29 =	vadd.s32 v2, v29;
	_ =	sdelay $0x1  }
0x14b: {  	v30 =	vmul.f32 $5.000000000e-01, v30;
	_ =	sdelay $0x1  }
0x14c: {  	[tilespmem:v28+s16+$0x0] =	vst.idx.msk $0xffff, v30  }
0x14d: {  	[tilespmem:v29+s16+$0x0] =	vst.idx.msk $0xffff, v30  }
0x14e: {  	v28 =	vld [tilespmem:$0x3B0]  }
0x14f: {  	v29 =	vld [tilespmem:$0x570];
	_ =	sdelay $0x3  }
0x150: {  	v30 =	vld [tilespmem:$0x1F0];
	v28 =	vmul.u32 $0x1B8, v28  }
0x151: {  	v29 =	vmul.u32 $0x1B8, v29  }
0x152: {  	v28 =	vadd.s32 v3, v28  }
0x153: {  	v29 =	vadd.s32 v3, v29;
	_ =	sdelay $0x1  }
0x154: {  	v30 =	vmul.f32 $5.000000000e-01, v30;
	_ =	sdelay $0x1  }
0x155: {  	[tilespmem:v28+s16+$0x0] =	vst.idx.msk $0xffff, v30  }
0x156: {  	[tilespmem:v29+s16+$0x0] =	vst.idx.msk $0xffff, v30  }
0x157: {  	v28 =	vld [tilespmem:$0x3C0]  }
0x158: {  	v29 =	vld [tilespmem:$0x580];
	_ =	sdelay $0x3  }
0x159: {  	v30 =	vld [tilespmem:$0x200];
	v28 =	vmul.u32 $0x1B8, v28  }
0x15a: {  	v29 =	vmul.u32 $0x1B8, v29  }
0x15b: {  	v28 =	vadd.s32 v4, v28  }
0x15c: {  	v29 =	vadd.s32 v4, v29;
	_ =	sdelay $0x1  }
0x15d: {  	v30 =	vmul.f32 $5.000000000e-01, v30;
	_ =	sdelay $0x1  }
0x15e: {  	[tilespmem:v28+s16+$0x0] =	vst.idx.msk $0xffff, v30  }
0x15f: {  	[tilespmem:v29+s16+$0x0] =	vst.idx.msk $0xffff, v30  }
0x160: {  	v28 =	vld [tilespmem:$0x3D0]  }
0x161: {  	v29 =	vld [tilespmem:$0x590];
	_ =	sdelay $0x3  }
0x162: {  	v30 =	vld [tilespmem:$0x210];
	v28 =	vmul.u32 $0x1B8, v28  }
0x163: {  	v29 =	vmul.u32 $0x1B8, v29  }
0x164: {  	v28 =	vadd.s32 v5, v28  }
0x165: {  	v29 =	vadd.s32 v5, v29;
	_ =	sdelay $0x1  }
0x166: {  	v30 =	vmul.f32 $5.000000000e-01, v30;
	_ =	sdelay $0x1  }
0x167: {  	[tilespmem:v28+s16+$0x0] =	vst.idx.msk $0xffff, v30  }
0x168: {  	[tilespmem:v29+s16+$0x0] =	vst.idx.msk $0xffff, v30  }
0x169: {  	v28 =	vld [tilespmem:$0x3E0]  }
0x16a: {  	v29 =	vld [tilespmem:$0x5A0];
	_ =	sdelay $0x3  }
0x16b: {  	v30 =	vld [tilespmem:$0x220];
	v28 =	vmul.u32 $0x1B8, v28  }
0x16c: {  	v29 =	vmul.u32 $0x1B8, v29  }
0x16d: {  	v28 =	vadd.s32 v6, v28  }
0x16e: {  	v29 =	vadd.s32 v6, v29;
	_ =	sdelay $0x1  }
0x16f: {  	v30 =	vmul.f32 $5.000000000e-01, v30;
	_ =	sdelay $0x1  }
0x170: {  	[tilespmem:v28+s16+$0x0] =	vst.idx.msk $0xffff, v30  }
0x171: {  	[tilespmem:v29+s16+$0x0] =	vst.idx.msk $0xffff, v30  }
0x172: {  	v28 =	vld [tilespmem:$0x3F0]  }
0x173: {  	v29 =	vld [tilespmem:$0x5B0];
	_ =	sdelay $0x3  }
0x174: {  	v30 =	vld [tilespmem:$0x230];
	v28 =	vmul.u32 $0x1B8, v28  }
0x175: {  	v29 =	vmul.u32 $0x1B8, v29  }
0x176: {  	v28 =	vadd.s32 v7, v28  }
0x177: {  	v29 =	vadd.s32 v7, v29;
	_ =	sdelay $0x1  }
0x178: {  	v30 =	vmul.f32 $5.000000000e-01, v30;
	_ =	sdelay $0x1  }
0x179: {  	[tilespmem:v28+s16+$0x0] =	vst.idx.msk $0xffff, v30  }
0x17a: {  	[tilespmem:v29+s16+$0x0] =	vst.idx.msk $0xffff, v30  }
0x17b: {  	v28 =	vld [tilespmem:$0x400]  }
0x17c: {  	v29 =	vld [tilespmem:$0x5C0];
	_ =	sdelay $0x3  }
0x17d: {  	v30 =	vld [tilespmem:$0x240];
	v28 =	vmul.u32 $0x1B8, v28  }
0x17e: {  	v29 =	vmul.u32 $0x1B8, v29  }
0x17f: {  	v28 =	vadd.s32 v8, v28  }
0x180: {  	v29 =	vadd.s32 v8, v29;
	_ =	sdelay $0x1  }
0x181: {  	v30 =	vmul.f32 $5.000000000e-01, v30;
	_ =	sdelay $0x1  }
0x182: {  	[tilespmem:v28+s16+$0x0] =	vst.idx.msk $0xffff, v30  }
0x183: {  	[tilespmem:v29+s16+$0x0] =	vst.idx.msk $0xffff, v30  }
0x184: {  	v28 =	vld [tilespmem:$0x410]  }
0x185: {  	v29 =	vld [tilespmem:$0x5D0];
	_ =	sdelay $0x3  }
0x186: {  	v30 =	vld [tilespmem:$0x250];
	v28 =	vmul.u32 $0x1B8, v28  }
0x187: {  	v29 =	vmul.u32 $0x1B8, v29  }
0x188: {  	v28 =	vadd.s32 v9, v28  }
0x189: {  	v29 =	vadd.s32 v9, v29;
	_ =	sdelay $0x1  }
0x18a: {  	v30 =	vmul.f32 $5.000000000e-01, v30;
	_ =	sdelay $0x1  }
0x18b: {  	[tilespmem:v28+s16+$0x0] =	vst.idx.msk $0xffff, v30  }
0x18c: {  	[tilespmem:v29+s16+$0x0] =	vst.idx.msk $0xffff, v30  }
0x18d: {  	v28 =	vld [tilespmem:$0x420]  }
0x18e: {  	v29 =	vld [tilespmem:$0x5E0];
	_ =	sdelay $0x3  }
0x18f: {  	v30 =	vld [tilespmem:$0x260];
	v28 =	vmul.u32 $0x1B8, v28  }
0x190: {  	v29 =	vmul.u32 $0x1B8, v29  }
0x191: {  	v28 =	vadd.s32 v10, v28  }
0x192: {  	v29 =	vadd.s32 v10, v29;
	_ =	sdelay $0x1  }
0x193: {  	v30 =	vmul.f32 $5.000000000e-01, v30;
	_ =	sdelay $0x1  }
0x194: {  	[tilespmem:v28+s16+$0x0] =	vst.idx.msk $0xffff, v30  }
0x195: {  	[tilespmem:v29+s16+$0x0] =	vst.idx.msk $0xffff, v30  }
0x196: {  	v28 =	vld [tilespmem:$0x430]  }
0x197: {  	v29 =	vld [tilespmem:$0x5F0];
	_ =	sdelay $0x3  }
0x198: {  	v30 =	vld [tilespmem:$0x270];
	v28 =	vmul.u32 $0x1B8, v28  }
0x199: {  	v29 =	vmul.u32 $0x1B8, v29  }
0x19a: {  	v28 =	vadd.s32 v11, v28  }
0x19b: {  	v29 =	vadd.s32 v11, v29;
	_ =	sdelay $0x1  }
0x19c: {  	v30 =	vmul.f32 $5.000000000e-01, v30;
	_ =	sdelay $0x1  }
0x19d: {  	[tilespmem:v28+s16+$0x0] =	vst.idx.msk $0xffff, v30  }
0x19e: {  	[tilespmem:v29+s16+$0x0] =	vst.idx.msk $0xffff, v30  }
0x19f: {  	v28 =	vld [tilespmem:$0x440]  }
0x1a0: {  	v29 =	vld [tilespmem:$0x600];
	_ =	sdelay $0x3  }
0x1a1: {  	v30 =	vld [tilespmem:$0x280];
	v28 =	vmul.u32 $0x1B8, v28  }
0x1a2: {  	v29 =	vmul.u32 $0x1B8, v29  }
0x1a3: {  	v28 =	vadd.s32 v12, v28  }
0x1a4: {  	v29 =	vadd.s32 v12, v29;
	_ =	sdelay $0x1  }
0x1a5: {  	v30 =	vmul.f32 $5.000000000e-01, v30;
	_ =	sdelay $0x1  }
0x1a6: {  	[tilespmem:v28+s16+$0x0] =	vst.idx.msk $0xffff, v30  }
0x1a7: {  	[tilespmem:v29+s16+$0x0] =	vst.idx.msk $0xffff, v30  }
0x1a8: {  	v28 =	vld [tilespmem:$0x450]  }
0x1a9: {  	v29 =	vld [tilespmem:$0x610];
	_ =	sdelay $0x3  }
0x1aa: {  	v30 =	vld [tilespmem:$0x290];
	v28 =	vmul.u32 $0x1B8, v28  }
0x1ab: {  	v29 =	vmul.u32 $0x1B8, v29  }
0x1ac: {  	v28 =	vadd.s32 v13, v28  }
0x1ad: {  	v29 =	vadd.s32 v13, v29;
	_ =	sdelay $0x1  }
0x1ae: {  	v30 =	vmul.f32 $5.000000000e-01, v30;
	_ =	sdelay $0x1  }
0x1af: {  	[tilespmem:v28+s16+$0x0] =	vst.idx.msk $0xffff, v30  }
0x1b0: {  	[tilespmem:v29+s16+$0x0] =	vst.idx.msk $0xffff, v30  }
0x1b1: {  	v28 =	vld [tilespmem:$0x460]  }
0x1b2: {  	v29 =	vld [tilespmem:$0x620];
	_ =	sdelay $0x3  }
0x1b3: {  	v30 =	vld [tilespmem:$0x2A0];
	v28 =	vmul.u32 $0x1B8, v28  }
0x1b4: {  	v29 =	vmul.u32 $0x1B8, v29  }
0x1b5: {  	v28 =	vadd.s32 v14, v28  }
0x1b6: {  	v29 =	vadd.s32 v14, v29;
	_ =	sdelay $0x1  }
0x1b7: {  	v30 =	vmul.f32 $5.000000000e-01, v30;
	_ =	sdelay $0x1  }
0x1b8: {  	[tilespmem:v28+s16+$0x0] =	vst.idx.msk $0xffff, v30  }
0x1b9: {  	[tilespmem:v29+s16+$0x0] =	vst.idx.msk $0xffff, v30  }
0x1ba: {  	v28 =	vld [tilespmem:$0x470]  }
0x1bb: {  	v29 =	vld [tilespmem:$0x630];
	_ =	sdelay $0x3  }
0x1bc: {  	v30 =	vld [tilespmem:$0x2B0];
	v28 =	vmul.u32 $0x1B8, v28  }
0x1bd: {  	v29 =	vmul.u32 $0x1B8, v29  }
0x1be: {  	v28 =	vadd.s32 v15, v28  }
0x1bf: {  	v29 =	vadd.s32 v15, v29;
	_ =	sdelay $0x1  }
0x1c0: {  	v30 =	vmul.f32 $5.000000000e-01, v30;
	_ =	sdelay $0x1  }
0x1c1: {  	[tilespmem:v28+s16+$0x0] =	vst.idx.msk $0xffff, v30  }
0x1c2: {  	[tilespmem:v29+s16+$0x0] =	vst.idx.msk $0xffff, v30  }
0x1c3: {  	v28 =	vld [tilespmem:$0x480]  }
0x1c4: {  	v29 =	vld [tilespmem:$0x640];
	_ =	sdelay $0x3  }
0x1c5: {  	v30 =	vld [tilespmem:$0x2C0];
	v28 =	vmul.u32 $0x1B8, v28  }
0x1c6: {  	v29 =	vmul.u32 $0x1B8, v29  }
0x1c7: {  	v28 =	vadd.s32 v16, v28  }
0x1c8: {  	v29 =	vadd.s32 v16, v29;
	_ =	sdelay $0x1  }
0x1c9: {  	v30 =	vmul.f32 $5.000000000e-01, v30;
	_ =	sdelay $0x1  }
0x1ca: {  	[tilespmem:v28+s16+$0x0] =	vst.idx.msk $0xffff, v30  }
0x1cb: {  	[tilespmem:v29+s16+$0x0] =	vst.idx.msk $0xffff, v30  }
0x1cc: {  	v28 =	vld [tilespmem:$0x490]  }
0x1cd: {  	v29 =	vld [tilespmem:$0x650];
	_ =	sdelay $0x3  }
0x1ce: {  	v30 =	vld [tilespmem:$0x2D0];
	v28 =	vmul.u32 $0x1B8, v28  }
0x1cf: {  	v29 =	vmul.u32 $0x1B8, v29  }
0x1d0: {  	v28 =	vadd.s32 v17, v28  }
0x1d1: {  	v29 =	vadd.s32 v17, v29;
	_ =	sdelay $0x1  }
0x1d2: {  	v30 =	vmul.f32 $5.000000000e-01, v30;
	_ =	sdelay $0x1  }
0x1d3: {  	[tilespmem:v28+s16+$0x0] =	vst.idx.msk $0xffff, v30  }
0x1d4: {  	[tilespmem:v29+s16+$0x0] =	vst.idx.msk $0xffff, v30  }
0x1d5: {  	v28 =	vld [tilespmem:$0x4A0]  }
0x1d6: {  	v29 =	vld [tilespmem:$0x660];
	_ =	sdelay $0x3  }
0x1d7: {  	v30 =	vld [tilespmem:$0x2E0];
	v28 =	vmul.u32 $0x1B8, v28  }
0x1d8: {  	v29 =	vmul.u32 $0x1B8, v29  }
0x1d9: {  	v28 =	vadd.s32 v18, v28  }
0x1da: {  	v29 =	vadd.s32 v18, v29;
	_ =	sdelay $0x1  }
0x1db: {  	v30 =	vmul.f32 $5.000000000e-01, v30;
	_ =	sdelay $0x1  }
0x1dc: {  	[tilespmem:v28+s16+$0x0] =	vst.idx.msk $0xffff, v30  }
0x1dd: {  	[tilespmem:v29+s16+$0x0] =	vst.idx.msk $0xffff, v30  }
0x1de: {  	v28 =	vld [tilespmem:$0x4B0]  }
0x1df: {  	v29 =	vld [tilespmem:$0x670];
	_ =	sdelay $0x3  }
0x1e0: {  	v30 =	vld [tilespmem:$0x2F0];
	v28 =	vmul.u32 $0x1B8, v28  }
0x1e1: {  	v29 =	vmul.u32 $0x1B8, v29  }
0x1e2: {  	v28 =	vadd.s32 v19, v28  }
0x1e3: {  	v29 =	vadd.s32 v19, v29;
	_ =	sdelay $0x1  }
0x1e4: {  	v30 =	vmul.f32 $5.000000000e-01, v30;
	_ =	sdelay $0x1  }
0x1e5: {  	[tilespmem:v28+s16+$0x0] =	vst.idx.msk $0xffff, v30  }
0x1e6: {  	[tilespmem:v29+s16+$0x0] =	vst.idx.msk $0xffff, v30  }
0x1e7: {  	v28 =	vld [tilespmem:$0x4C0]  }
0x1e8: {  	v29 =	vld [tilespmem:$0x680];
	_ =	sdelay $0x3  }
0x1e9: {  	v30 =	vld [tilespmem:$0x300];
	v28 =	vmul.u32 $0x1B8, v28  }
0x1ea: {  	v29 =	vmul.u32 $0x1B8, v29  }
0x1eb: {  	v28 =	vadd.s32 v20, v28  }
0x1ec: {  	v29 =	vadd.s32 v20, v29;
	_ =	sdelay $0x1  }
0x1ed: {  	v30 =	vmul.f32 $5.000000000e-01, v30;
	_ =	sdelay $0x1  }
0x1ee: {  	[tilespmem:v28+s16+$0x0] =	vst.idx.msk $0xffff, v30  }
0x1ef: {  	[tilespmem:v29+s16+$0x0] =	vst.idx.msk $0xffff, v30  }
0x1f0: {  	v28 =	vld [tilespmem:$0x4D0]  }
0x1f1: {  	v29 =	vld [tilespmem:$0x690];
	_ =	sdelay $0x3  }
0x1f2: {  	v30 =	vld [tilespmem:$0x310];
	v28 =	vmul.u32 $0x1B8, v28  }
0x1f3: {  	v29 =	vmul.u32 $0x1B8, v29  }
0x1f4: {  	v28 =	vadd.s32 v21, v28  }
0x1f5: {  	v29 =	vadd.s32 v21, v29;
	_ =	sdelay $0x1  }
0x1f6: {  	v30 =	vmul.f32 $5.000000000e-01, v30;
	_ =	sdelay $0x1  }
0x1f7: {  	[tilespmem:v28+s16+$0x0] =	vst.idx.msk $0xffff, v30  }
0x1f8: {  	[tilespmem:v29+s16+$0x0] =	vst.idx.msk $0xffff, v30  }
0x1f9: {  	v28 =	vld [tilespmem:$0x4E0]  }
0x1fa: {  	v29 =	vld [tilespmem:$0x6A0];
	_ =	sdelay $0x3  }
0x1fb: {  	v30 =	vld [tilespmem:$0x320];
	v28 =	vmul.u32 $0x1B8, v28  }
0x1fc: {  	v29 =	vmul.u32 $0x1B8, v29  }
0x1fd: {  	v28 =	vadd.s32 v22, v28  }
0x1fe: {  	v29 =	vadd.s32 v22, v29;
	_ =	sdelay $0x1  }
0x1ff: {  	v30 =	vmul.f32 $5.000000000e-01, v30;
	_ =	sdelay $0x1  }
0x200: {  	[tilespmem:v28+s16+$0x0] =	vst.idx.msk $0xffff, v30  }
0x201: {  	[tilespmem:v29+s16+$0x0] =	vst.idx.msk $0xffff, v30  }
0x202: {  	v28 =	vld [tilespmem:$0x4F0]  }
0x203: {  	v29 =	vld [tilespmem:$0x6B0];
	_ =	sdelay $0x3  }
0x204: {  	v30 =	vld [tilespmem:$0x330];
	v28 =	vmul.u32 $0x1B8, v28  }
0x205: {  	v29 =	vmul.u32 $0x1B8, v29  }
0x206: {  	v28 =	vadd.s32 v23, v28  }
0x207: {  	v29 =	vadd.s32 v23, v29;
	_ =	sdelay $0x1  }
0x208: {  	v30 =	vmul.f32 $5.000000000e-01, v30;
	_ =	sdelay $0x1  }
0x209: {  	[tilespmem:v28+s16+$0x0] =	vst.idx.msk $0xffff, v30  }
0x20a: {  	[tilespmem:v29+s16+$0x0] =	vst.idx.msk $0xffff, v30  }
0x20b: {  	v28 =	vld [tilespmem:$0x500]  }
0x20c: {  	v29 =	vld [tilespmem:$0x6C0];
	_ =	sdelay $0x3  }
0x20d: {  	v30 =	vld [tilespmem:$0x340];
	v28 =	vmul.u32 $0x1B8, v28  }
0x20e: {  	v29 =	vmul.u32 $0x1B8, v29  }
0x20f: {  	v28 =	vadd.s32 v24, v28  }
0x210: {  	v29 =	vadd.s32 v24, v29;
	_ =	sdelay $0x1  }
0x211: {  	v30 =	vmul.f32 $5.000000000e-01, v30;
	_ =	sdelay $0x1  }
0x212: {  	[tilespmem:v28+s16+$0x0] =	vst.idx.msk $0xffff, v30  }
0x213: {  	[tilespmem:v29+s16+$0x0] =	vst.idx.msk $0xffff, v30  }
0x214: {  	v28 =	vld [tilespmem:$0x510]  }
0x215: {  	v29 =	vld [tilespmem:$0x6D0];
	_ =	sdelay $0x3  }
0x216: {  	v30 =	vld [tilespmem:$0x350];
	v28 =	vmul.u32 $0x1B8, v28  }
0x217: {  	v29 =	vmul.u32 $0x1B8, v29  }
0x218: {  	v28 =	vadd.s32 v25, v28  }
0x219: {  	v29 =	vadd.s32 v25, v29;
	_ =	sdelay $0x1  }
0x21a: {  	v30 =	vmul.f32 $5.000000000e-01, v30;
	_ =	sdelay $0x1  }
0x21b: {  	[tilespmem:v28+s16+$0x0] =	vst.idx.msk $0xffff, v30  }
0x21c: {  	[tilespmem:v29+s16+$0x0] =	vst.idx.msk $0xffff, v30  }
0x21d: {  	v28 =	vld [tilespmem:$0x520]  }
0x21e: {  	v29 =	vld [tilespmem:$0x6E0];
	_ =	sdelay $0x3  }
0x21f: {  	v30 =	vld [tilespmem:$0x360];
	v28 =	vmul.u32 $0x1B8, v28  }
0x220: {  	v29 =	vmul.u32 $0x1B8, v29  }
0x221: {  	v28 =	vadd.s32 v26, v28  }
0x222: {  	v29 =	vadd.s32 v26, v29;
	_ =	sdelay $0x1  }
0x223: {  	v30 =	vmul.f32 $5.000000000e-01, v30;
	_ =	sdelay $0x1  }
0x224: {  	[tilespmem:v28+s16+$0x0] =	vst.idx.msk $0xffff, v30  }
0x225: {  	[tilespmem:v29+s16+$0x0] =	vst.idx.msk $0xffff, v30  }
0x226: {  	v28 =	vld [tilespmem:$0x530]  }
0x227: {  	v29 =	vld [tilespmem:$0x6F0];
	_ =	sdelay $0x3  }
0x228: {  	v30 =	vld [tilespmem:$0x370];
	v28 =	vmul.u32 $0x1B8, v28  }
0x229: {  	v29 =	vmul.u32 $0x1B8, v29  }
0x22a: {  	v28 =	vadd.s32 v27, v28  }
0x22b: {  	v29 =	vadd.s32 v27, v29;
	_ =	sdelay $0x1  }
0x22c: {  	v30 =	vmul.f32 $5.000000000e-01, v30  }
0x22d: {  	s26 =	sadd.s32 @!p1 s24, s9;
	s24 =	sadd.s32 $0x6E, s24  }
0x22e: {  	p0 =	sne.s32 s24, $0x1B80;
	[tilespmem:v28+s16+$0x0] =	vst.idx.msk $0x7, v30  }
.Ltmp0:
0x22f: {  	s28 =	simm.s32 @!p1 $0x1C0;
	[tilespmem:v29+s16+$0x0] =	vst.idx.msk $0x7, v30;
	(pc) =	sbr.rel @p0 .LBB2_2-.Ltmp0, $4  }
0x230: {  	[tilespmem:s28], [sflag:$0x2] =	stream.linear.gather @!p1 [hbm4b:s26+s25], $0x1B3, $0x38;
	[tilespmem:$0x6E20] =	vst v63  }
0x231: {  	_ = 	snop  }
0x232: {  	[hbm4b:s23+s2] =	stream.linear.scatter [tilespmem:s16], [sflag:$0x4], $0x3390, $0x38;
	[tilespmem:$0x6E20] =	vst v63  }
0x233: {  	s23 =	sadd.s32 $0xCE4, s23  }
0x234: {  	s22 =	sadd.s32 $0x1, s22  }
0x235: {  	_ =	swait.ge [sflag:s20], $0x3390;
	p0 =	sne.s32 s22, s8  }
.Ltmp1:
0x236: {  	[sflag:s20] =	ssyncset.done $0x0;
	(pc) =	sbr.rel @p0 .LBB2_1-.Ltmp1, $4  }
0x237: {  	[sflag:s20] =	ssyncadd.s32 $0xFFFFCC70  }
0x238: {  	_ =	swait.ge [sflag:s21], $0x3390  }
0x239: {  	[sflag:s21] =	ssyncset.done $0x0  }
0x23a: {  	[sflag:s21] =	ssyncadd.s32 $0xFFFFCC70  }
0x23b: {  	_ =	sfence.sel $0x180000  }
0x23c: {  	[bflag:$0x0] =	sbarrier.arrive $0xFFFF  }
0x23d: {  	p0 =	sne.s32 s1, $0x0;
	_ =	strace $0x90000047  }
0x23e: {  	s0 =	sadd.s32 @!p0 $0x100000, s0;
	[bflag:$0x2] =	sbarrier.arrive $0xFFFF  }
0x23f: {  	[sflag:s0] =	ssyncadd.tile.s32 @!p0 $0x1;
	_ =	shalt  }
.Lfunc_end2:
_tile_overlayer_lowered:
.L_overlay_start_2:
0x240: {  	(tag) =	ssettag $0x2  }
0x241: {  	s0 =	rddreg [dreg:$0x0];
	s2 =	stileid.u32  }
0x242: {  	s1 =	rddreg [dreg:$0x1];
	p0 =	sne.s32 s2, $0x0  }
0x243: {  	s3 =	rddreg [dreg:$0x2];
	[bflag:$0x3] =	sbarrier.arrive $0xFFFF;
	s2 =	simm.s32 @!p0 $0x1C05  }
0x244: {  	[timem:s3], [sflag:s2] =	dma.local @!p0 [hbm:s0], s1  }
0x245: {  	s0 =	simm.s32 @!p0 $0x5  }
0x246: {  	_ =	swait.ge @!p0 [sflag:s0], s1  }
0x247: {  	s1 =	ssub.s32 @!p0 $0x0, s1;
	[sflag:s0] =	ssyncset.done @!p0 $0x0  }
0x248: {  	[sflag:s0] =	ssyncadd.s32 @!p0 s1  }
0x249: {  	[bflag:$0x3] =	sbarrier.arrive $0xFFFF  }
0x24a: {  	_ =	shalt  }

// kernel: sparse-core-data-format-call.cloned.1.call-start
scs
called_computation_lowered:
.L_overlay_start_0:
0x0: {  	s2 =	sld [smem:$0x3FD9]  }
0x1: {  	s3 =	sld [smem:$0x3FFE];
	_ =	sdelay $0x1  }
0x2: {  	s1 =	srdreg.scid  }
0x3: {  	s0 =	sand.u32 $0x1, s1  }
0x4: {  	s18 =	sshll.u32 s0, $0xA;
	s2 =	sadd.s32 s3, s2  }
0x5: {  	s2 =	sadd.s32 s2, s18  }
0x6: {  	[smem:$0x3FC7] =	sst s2  }
0x7: {  	_ = 	snop  }
0x8: {  	s2 =	sld [smem:$0x3FD0];
	(tm) =	ssettm $0x1  }
0x9: {  	s19 =	sld [smem:$0x3FFB];
	_ =	sdelay $0x3  }
0xa: {  	_ =	strace s19  }
0xb: {  	s3 =	sld [smem:$0x3FFC];
	_ =	sdelay $0x3  }
0xc: {  	_ =	strace s3  }
0xd: {  	s3 =	sld [smem:$0x3FFD];
	_ =	sdelay $0x3  }
0xe: {  	_ =	strace s3  }
0xf: {  	_ =	strace $0x8FFFFFFF  }
0x10: {  	s20 =	sld [smem:$0x3FDB];
	_ =	sdelay $0x1  }
0x11: {  	s4 =	simm.s32 $_scs_section_size  }
0x12: {  	s5 =	simm.s32 $_size__tile_overlayer_lowered;
	s6 =	simm.s32 $_tile_overlayer_lowered  }
0x13: {  	s23 =	simm.s32 $0x1BFF;
	s22 =	sshll.u32 s6, $0x1;
	s3 =	sadd.s32 s4, s20  }
0x14: {  	s7 =	simm.s32 $0x0;
	s21 =	sshll.u32 s5, $0x1;
	s5 =	sadd.s32 s22, s3  }
0x15: {  	[timem:s7], [sflag:s23] =	dma.local [hbm:s5], s21  }
0x16: {  	_ =	swait.ge [sflag:s23], s21  }
0x17: {  	s4 =	ssub.s32 $0x0, s21;
	[sflag:s23] =	ssyncset.done $0x0  }
0x18: {  	[sflag:s23] =	ssyncadd.s32 s4;
	_ =	sdelay $0x1  }
0x19: {  	s24 =	simm.s32 $0x1B8B  }
0x1a: {  	_ =	swait.ge [sflag:s24], $0x1  }
0x1b: {  	[sflag:s24] =	ssyncset.done $0x0  }
0x1c: {  	s26 =	simm.s32 $0x1B8E;
	s25 =	sld [smem:$0x3FFE];
	[sflag:s24] =	ssyncadd.s32 $0xFFFFFFFF  }
0x1d: {  	s27 =	simm.s32 $execute0_lowered;
	[smem:$0x3FD2] =	sst s26  }
0x1e: {  	s5 =	sshll.u32 s27, $0x1;
	_ =	strace $0x80000049;
	[dreg:$0x1] =	wrdreg $0xFFFFFFFF  }
0x1f: {  	s28 =	simm.s32 $_size_execute0_lowered;
	s3 =	sadd.s32 s3, s5;
	[dreg:$0x0] =	wrdreg $0x0  }
0x20: {  	s5 =	sshll.u32 s28, $0x1;
	[dreg:$0x2] =	wrdreg s3  }
0x21: {  	[dreg:$0x3] =	wrdreg s5  }
0x22: {  	[dreg:$0x4] =	wrdreg $0xC0  }
0x23: {  	_ =	task [dreg:s7], $0x5FFFF  }
0x24: {  	[dreg:$0x1] =	wrdreg $0xFFFFFFFF  }
0x25: {  	[dreg:$0x0] =	wrdreg $0x60  }
0x26: {  	[dreg:$0x2] =	wrdreg s25  }
0x27: {  	[dreg:$0x3] =	wrdreg s2  }
0x28: {  	[dreg:$0x4] =	wrdreg $0x9  }
0x29: {  	_ =	task.clear_ibuf [dreg:s7], $0x5FFFF;
	_ =	strace $0x90000049  }
0x2a: {  	s29 =	simm.s32 $0x9;
	_ =	strace $0x8000004B  }
0x2b: {  	_ =	swait.ge [sflag:s29], $0x1  }
0x2c: {  	[sflag:s29] =	ssyncadd.s32 $0xFFFFFFFF  }
0x2d: {  	_ =	strace $0x9000004B  }
0x2e: {  	_ =	sfence  }
0x2f: {  	s30 =	sld [smem:$0x0];
	_ =	sdelay $0x2  }
0x30: {  	s31 =	sshll.u32 s1, $0xD;
	s1 =	sshrl.u32 s1, $0x2  }
0x31: {  	s3 =	sand.u32 $0x4000, s31;
	s1 =	sadd.s32 s1, s30  }
0x32: {  	s0 =	sor.u32 s3, s0;
	s1 =	sshll.u32 s1, $0x11  }
0x33: {  	s0 =	sor.u32 s1, s0  }
0x34: {  	s0 =	sadd.s32 $0x8F2B, s0  }
0x35: {  	[sflag:s0] =	ssyncadd.remote.s32 $0x1  }
0x36: {  	_ =	sfence.sel $0xFFFF  }
0x37: {  	[dreg:$0x0] =	wrdreg $0xFFFFFFFF;
	(pc) =	sbr.abs _section_cstart, $3  }
0x38: {  	[dreg:$0x1] =	wrdreg $0xFFFFFFFF  }
0x39: {  	_ =	task.clear_ibuf [dreg:s7], $0x2FFFF;
	_ =	strace $0x9FFFFFFF  }
0x3a: {  	(tm) =	ssettm $0x7FFFFFFF  }
0x3b: {  	_ =	shalt  }
tec
execute0_lowered:
.L_overlay_start_1:
0x0: {  	(tag) =	ssettag $0x1  }
0x1: {  	s0 =	srdreg.scid;
	s6 =	rddreg [dreg:$0x0]  }
0x2: {  	s3 =	rddreg [dreg:$0x1];
	s1 =	sshll.u32 s0, $0x4  }
0x3: {  	s5 =	simm.s32 $0x1;
	s0 =	stileid.u32;
	s1 =	sand.u32 $0x10, s1  }
0x4: {  	s31 =	simm.s32 $0x2;
	s16 =	simm.s32 $0x0;
	s1 =	sor.u32 s0, s1  }
0x5: {  	s8 =	simm.s32 $0x8000;
	s18 =	simm.s32 $0x0;
	s2 =	sshll.u32 s1, $0x7  }
0x6: {  	s17 =	simm.s32 $0x0;
	s9 =	simm.s32 $0x0;
	s4 =	ssub.s32 $0x1000, s2  }
0x7: {  	s10 =	simm.s32 $0x0;
	s11 =	simm.s32 $0x0;
	s30 =	sand.u32 $0xF80, s4  }
0x8: {  	s12 =	simm.s32 $0x0;
	s13 =	simm.s32 $0x0;
	p0 =	sne.s32 s30, $0x0  }
.Ltmp0:
0x9: {  	s7 =	sshrl.u32 s4, $0xC;
	s5 =	simm.s32 @!p0 $0x0;
	(pc) =	sbr.rel .LBB1_1-.Ltmp0, $4  }
0xa: {  	s15 =	simm.s32 $0x0;
	s1 =	rddreg [dreg:$0x2];
	s5 =	sadd.s32 s5, s7  }
0xb: {  	_ =	strace $0x8000004A;
	s4 =	simm.s32 $0x1;
	s5 =	smul.u32 $0x78, s5  }
0xc: {  	s6 =	sadd.s32 $0xC00, s6;
	s14 =	smov.u32 s2;
	[sflag:s4] =	ssyncpa.u1 $0x0  }
0xd: {  	[sflag:s31] =	ssyncpa.u1 $0x0;
	p0 =	por $0x0, $0x0;
	s7 =	sor.u32 $0x1, s5  }
.LBB1_4:
0xe: {  	s23 =	sshra.s32 s23, $0x2;
	s30 =	sshll.u32 s9, $0xC  }
0xf: {  	p1 =	sgt.s32 s10, $0x1D;
	s24 =	smov.u32 s10;
	s25 =	sshra.s32 s10, $0x1F  }
0x10: {  	s26 =	sshll.u32 s11, $0x3;
	s28 =	smov.u32 s11;
	s29 =	sshra.s32 s11, $0x1F  }
0x11: {  	s22 =	sadd.s32 s23, s22;
	s24 =	simm.s32 @!p1 $0x1D;
	s25 =	sand.u32 s25, s10  }
0x12: {  	s23 =	sand.u32 $0xFFFF8000, s30;
	s27 =	sand.u32 $0xFFFFFC00, s26;
	p1 =	sgt.s32 s9, $0x138  }
0x13: {  	s31 =	sand.u32 s29, s11;
	s29 =	sshll.u32 s9, $0x7;
	s30 =	sshra.s32 s9, $0x1F  }
0x14: {  	[tilespmem:s21+$0x2040 ss:$0x81] =	vst.msk $0xffff, v4;
	s24 =	ssub.s32 s24, s25;
	s23 =	sadd.s32 s27, s23;
	s27 =	smov.u32 s9  }
0x15: {  	[tilespmem:s21+$0x2850 ss:$0x81] =	vst.msk $0xffff, v3;
	s29 =	sand.u32 $0x380, s29;
	s25 =	sadd.s32 $0xFFFFFFE3, s24;
	s27 =	simm.s32 @!p1 $0x138  }
0x16: {  	v5 =	vld [tilespmem:s20+$0xFFFFFFD0];
	[tilespmem:s21+$0x3060 ss:$0x81] =	vst.msk $0xffff, v2;
	p1 =	sgt.s32 s11, $0xF80;
	s23 =	sshrl.u32 s23, $0xC;
	s24 =	ssub.s32 $0x1E, s24  }
0x17: {  	v58 =	vld [tilespmem:s20+$0xFFFFFFE0];
	[tilespmem:s21+$0x0 ss:$0x81] =	vst.msk $0xffff, v1;
	s28 =	simm.s32 @!p1 $0xF80;
	p1 =	sgt.s32 s25, $0x0;
	s21 =	smulhi.u32 $0x94F20A, s23  }
0x18: {  	v59 =	vld [tilespmem:s20+$0xFFFFFFF0];
	s25 =	ssub.s32 s28, s31;
	s28 =	sand.u32 s30, s9;
	s24 =	simm.s32 @p1 $0x0  }
0x19: {  	v60 =	vld [tilespmem:s20+$0x0];
	s27 =	ssub.s32 s27, s28;
	s31 =	sadd.s32 $0xFFFFF080, s25;
	s25 =	ssub.s32 $0x1000, s25  }
0x1a: {  	v61 =	vld [tilespmem:s20+$0x10];
	[tilespmem:s22+$0x3870 ss:$0x81] =	vst.msk $0xffff, v0;
	s21 =	smul.u32 $0x1B8, s21;
	s28 =	sand.u32 $0x7, s11;
	p1 =	sgt.s32 s31, $0x7F  }
0x1b: {  	v62 =	vld [tilespmem:s20+$0x20];
	[tilespmem:s22+$0x810 ss:$0x81] =	vst.msk $0xffff, v5;
	s30 =	sadd.s32 $0xFFFFFEC8, s27;
	s31 =	sand.u32 $0x78, s11;
	s25 =	simm.s32 @p1 $0x0  }
0x1c: {  	v63 =	vld [tilespmem:s20+$0xFFFFFFC0];
	[tilespmem:s22+$0x1020 ss:$0x81] =	vst.msk $0xffff, v58;
	p1 =	sgt.s32 s30, $0x7F;
	s30 =	sand.u32 $0xC00, s26;
	s24 =	smul.u32 s25, s24  }
0x1d: {  	[tilespmem:s22+$0x1830 ss:$0x81] =	vst.msk $0xffff, v59;
	s26 =	ssub.s32 $0x1B8, s27;
	s20 =	sor.u32 s31, s30;
	s31 =	smul.u32 $0x37000, s10  }
0x1e: {  	[tilespmem:s22+$0x2040 ss:$0x81] =	vst.msk $0xffff, v60;
	s21 =	ssub.s32 s23, s21;
	s26 =	simm.s32 @p1 $0x0;
	s20 =	sor.u32 s29, s20  }
0x1f: {  	[tilespmem:s22+$0x2850 ss:$0x81] =	vst.msk $0xffff, v61;
	s26 =	smul.u32 s26, s24;
	s20 =	sshrl.u32 s20, $0x3;
	s27 =	sadd.s32 s3, s31  }
0x20: {  	[tilespmem:s22+$0x3060 ss:$0x81] =	vst.msk $0xffff, v62;
	s21 =	sshll.u32 s21, $0x9;
	s29 =	sshll.u32 s28, $0x12;
	s20 =	sadd.s32 s20, s27  }
0x21: {  	[tilespmem:s22+$0x0 ss:$0x81] =	vst.msk $0xffff, v63;
	s31 =	sor.u32 $0x400, s29;
	s30 =	sand.u32 $0x3FFFFFFF, s26;
	s20 =	sadd.s32 s21, s20  }
0x22: {  	[hbm4b:s20+s31] =	stream.strided.scatter [tilespmem:s19], [sflag:$0x2], s30, s8, s31, $0x20;
	[tilespmem:$0x10100] =	vst v63  }
.LBB1_5:
0x23: {  	p1 =	slt.u32 s15, $0x2  }
0x24: {  	p2 =	sgt.s32 @!p1 s18, $0x1D  }
0x25: {  	s19 =	smov.u32 s18;
	s20 =	sshra.s32 @!p1 s18, $0x1F;
	p2 =	por !p2, p1  }
0x26: {  	s18 =	sand.u32 @!p1 s20, s18;
	s19 =	simm.s32 @p2 $0x1D  }
0x27: {  	p3 =	sgt.s32 @!p1 s16, $0x138;
	s18 =	ssub.s32 @!p1 s19, s18  }
0x28: {  	p4 =	sgt.s32 @!p1 s17, $0xF80;
	s21 =	sshra.s32 @!p1 s17, $0x1F;
	s19 =	sadd.s32 @!p1 $0xFFFFFFE3, s18  }
0x29: {  	s20 =	smov.u32 s16;
	p2 =	sgt.s32 @!p1 s19, $0x0;
	s19 =	sshra.s32 @!p1 s16, $0x1F  }
0x2a: {  	p4 =	por !p4, p1;
	s16 =	sand.u32 @!p1 s19, s16;
	s19 =	smov.u32 s17  }
0x2b: {  	p3 =	por !p3, p1;
	s17 =	sand.u32 @!p1 s21, s17;
	s19 =	simm.s32 @p4 $0xF80  }
0x2c: {  	s20 =	simm.s32 @p3 $0x138;
	s18 =	ssub.s32 @!p1 $0x1E, s18;
	s17 =	ssub.s32 @!p1 s19, s17  }
0x2d: {  	p2 =	por !p2, p1;
	s16 =	ssub.s32 @!p1 s20, s16;
	s20 =	sadd.s32 @!p1 $0xFFFFF080, s17  }
0x2e: {  	s18 =	simm.s32 @!p2 $0x0;
	p3 =	sgt.s32 @!p1 s20, $0x7F  }
0x2f: {  	s19 =	sadd.s32 @!p1 $0xFFFFFEC8, s16;
	s17 =	ssub.s32 @!p1 $0x1000, s17;
	p3 =	por !p3, p1  }
0x30: {  	p2 =	sgt.s32 @!p1 s19, $0x7F;
	s19 =	sadd.s32 $0x80, s12;
	s17 =	simm.s32 @!p3 $0x0  }
0x31: {  	p3 =	sgt.s32 s19, $0x1B2;
	s17 =	smul.u32 @!p1 s17, s18;
	s18 =	simm.s32 $0x1  }
0x32: {  	s16 =	ssub.s32 @!p1 $0x1B8, s16;
	p2 =	por !p2, p1;
	s18 =	simm.s32 @!p3 $0x0  }
0x33: {  	s21 =	smov.u32 s14;
	s16 =	simm.s32 @!p2 $0x0;
	s20 =	sadd.s32 s18, s13  }
0x34: {  	s16 =	smul.u32 @!p1 s16, s17;
	s17 =	sadd.s32 $0x1000, s14;
	p2 =	sgt.s32 s20, $0x1D  }
0x35: {  	p0 =	por !p0, !p0;
	s22 =	simm.s32 @!p1 $0x2;
	s21 =	smov.u32 @p2 s17  }
0x36: {  	s19 =	simm.s32 @p3 $0x0;
	s20 =	simm.s32 @p2 $0x0;
	p2 =	sgt.s32 s21, $0xFFF  }
0x37: {  	s18 =	smov.u32 s10;
	s21 =	smov.u32 @p2 s2;
	p2 =	sne.s32 s15, s7  }
.Ltmp1:
0x38: {  	s10 =	smov.u32 s13;
	s16 =	sand.u32 @!p1 $0x3FFFFFFF, s16;
	(pc) =	sbr.rel @!p2 .LBB1_6-.Ltmp1, $4  }
0x39: {  	s17 =	smov.u32 s11;
	s11 =	smov.u32 s14;
	_ =	swait.ge @!p1 [sflag:s22], s16  }
0x3a: {  	s23 =	ssub.s32 @!p1 $0x0, s16;
	s16 =	smov.u32 s9;
	s9 =	smov.u32 s12  }
0x3b: {  	s12 =	smov.u32 s19;
	s13 =	smov.u32 s20;
	[sflag:s22] =	ssyncset.done @!p1 $0x0  }
0x3c: {  	s15 =	sadd.s32 $0x1, s15;
	[sflag:s22] =	ssyncadd.s32 @!p1 s23;
	s14 =	smov.u32 s21  }
.LBB1_1:
0x3d: {  	p1 =	sge.u32 s15, s5  }
0x3e: {  	s31 =	sadd.s32 $0xFFFFFFFF, s15;
	s19 =	sxor.u32 @!p1 $0xFFFFFFFF, s15  }
0x3f: {  	s20 =	sshll.u32 @!p1 s13, $0x9;
	s21 =	sshll.u32 @!p1 s12, $0x3;
	s22 =	sshll.u32 @!p1 s13, $0x7  }
0x40: {  	s23 =	sand.u32 @!p1 $0x78, s12;
	s20 =	sand.u32 @!p1 $0x3000, s20;
	s21 =	sand.u32 @!p1 $0x3C00, s21  }
0x41: {  	s19 =	sshll.u32 @!p1 s19, $0xE;
	s20 =	sadd.s32 @!p1 s20, s21;
	s21 =	sand.u32 @!p1 $0x200, s22  }
0x42: {  	s19 =	sand.u32 @!p1 $0x4000, s19;
	s20 =	sor.u32 @!p1 s21, s20;
	s21 =	sand.u32 @!p1 $0x180, s22  }
0x43: {  	s22 =	sshll.u32 @!p1 s14, $0xB;
	s21 =	sor.u32 @!p1 s23, s21;
	s20 =	sshrl.u32 @!p1 s20, $0x3  }
0x44: {  	s22 =	sadd.s32 @!p1 s6, s22;
	s23 =	sand.u32 @!p1 $0x7, s12;
	s21 =	sshrl.u32 @!p1 s21, $0x3  }
0x45: {  	s20 =	sand.u32 @!p1 $0x7C0, s20;
	s21 =	sadd.s32 @!p1 s21, s22;
	s22 =	sshll.u32 @!p1 s23, $0x12  }
0x46: {  	s20 =	sadd.s32 @!p1 s20, s21;
	s21 =	sor.u32 @!p1 $0x80, s22;
	s22 =	simm.s32 @!p1 $0x4000  }
0x47: {  	[tilespmem:s19], [sflag:$0x1] =	stream.strided.gather @!p1 [hbm4b:s20+s21], $0x4000, s22, s21, $0x38;
	[tilespmem:$0x10100] =	vst v63  }
0x48: {  	p1 =	sge.u32 s31, s5  }
.Ltmp2:
0x49: {  	_ = 	snop;
	(pc) =	sbr.rel @p1 .LBB1_5-.Ltmp2, $1  }
0x4a: {  	_ =	sdelay $0x3  }
0x4b: {  	s19 =	simm.s32 $0x1  }
0x4c: {  	_ =	swait.ge [sflag:s4], $0x4000;
	s19 =	simm.s32 @!p0 $0x0  }
0x4d: {  	[sflag:s4] =	ssyncset.done $0x0;
	s20 =	sshll.u32 s19, $0xE  }
0x4e: {  	[sflag:s4] =	ssyncadd.s32 $0xFFFFC000;
	s20 =	sor.u32 $0x40, s20  }
0x4f: {  	s19 =	smul.u32 $0x10200, s19;
	v0 =	vld [tilespmem:s20+$0x30]  }
0x50: {  	v1 =	vld [tilespmem:s20+$0xFFFFFFD0]  }
0x51: {  	s19 =	sshrl.u32 s19, $0x2;
	v5 =	vld [tilespmem:s20+$0xFFFFFFE0]  }
0x52: {  	v6 =	vld [tilespmem:s20+$0xFFFFFFF0];
	s22 =	sor.u32 $0x8000, s19  }
0x53: {  	s31 =	sand.u32 $0x1, s15;
	v4 =	vld [tilespmem:s20+$0x0];
	s21 =	sadd.s32 $0x0, s22  }
0x54: {  	v3 =	vld [tilespmem:s20+$0x10];
	s19 =	smul.u32 $0x10200, s31;
	[tilespmem:s21+$0x3870 ss:$0x81] =	vst.msk $0xffff, v0  }
0x55: {  	v2 =	vld [tilespmem:s20+$0x20];
	[tilespmem:s21+$0x810 ss:$0x81] =	vst.msk $0xffff, v1  }
0x56: {  	s19 =	sshrl.u32 s19, $0x2;
	v1 =	vld [tilespmem:s20+$0xFFFFFFC0];
	[tilespmem:s21+$0x1020 ss:$0x81] =	vst.msk $0xffff, v5;
	s20 =	sadd.s32 $0x80, s20  }
0x57: {  	s23 =	simm.s32 $0x4;
	s24 =	simm.s32 $0x8;
	s19 =	sor.u32 $0x8000, s19;
	[tilespmem:s21+$0x1830 ss:$0x81] =	vst.msk $0xffff, v6;
	v0 =	vld [tilespmem:s20+$0x30]  }
.LBB1_3:
0x58: {  	p1 =	sne.s32 s24, $0x1FC;
	v5 =	vld [tilespmem:s20+$0xFFFFFFD0];
	[tilespmem:s21+$0x2040 ss:$0x81] =	vst.msk $0xffff, v4  }
0x59: {  	v6 =	vld [tilespmem:s20+$0xFFFFFFE0];
	[tilespmem:s21+$0x2850 ss:$0x81] =	vst.msk $0xffff, v3  }
0x5a: {  	s25 =	sshra.s32 s23, $0x2;
	s23 =	smov.u32 s24;
	v7 =	vld [tilespmem:s20+$0xFFFFFFF0];
	[tilespmem:s21+$0x3060 ss:$0x81] =	vst.msk $0xffff, v2  }
.Ltmp3:
0x5b: {  	v4 =	vld [tilespmem:s20+$0x0];
	[tilespmem:s21+$0x0 ss:$0x81] =	vst.msk $0xffff, v1;
	s21 =	sadd.s32 s25, s22;
	(pc) =	sbr.rel @p1 .LBB1_3-.Ltmp3, $4  }
0x5c: {  	v3 =	vld [tilespmem:s20+$0x10];
	[tilespmem:s21+$0x3870 ss:$0x81] =	vst.msk $0xffff, v0  }
0x5d: {  	[tilespmem:s21+$0x810 ss:$0x81] =	vst.msk $0xffff, v5;
	v2 =	vld [tilespmem:s20+$0x20]  }
0x5e: {  	v1 =	vld [tilespmem:s20+$0xFFFFFFC0];
	[tilespmem:s21+$0x1020 ss:$0x81] =	vst.msk $0xffff, v6;
	s20 =	sadd.s32 $0x80, s20  }
0x5f: {  	s24 =	sadd.s32 $0x4, s24;
	v0 =	vld [tilespmem:s20+$0x30];
	[tilespmem:s21+$0x1830 ss:$0x81] =	vst.msk $0xffff, v7  }
.Ltmp4:
0x60: {  	_ = 	snop;
	(pc) =	sbr.rel .LBB1_4-.Ltmp4, $1  }
0x61: {  	_ =	sdelay $0x3  }
.LBB1_6:
0x62: {  	_ =	sfence.sel $0x180000  }
0x63: {  	s2 =	simm.s32 $0x1;
	[bflag:$0x0] =	sbarrier.arrive $0xFFFF  }
0x64: {  	s31 =	simm.s32 $0x2;
	[sflag:s2] =	ssyncpa.u1 $0x1  }
0x65: {  	[sflag:s31] =	ssyncpa.u1 $0x1  }
0x66: {  	p0 =	sne.s32 s0, $0x0;
	_ =	strace $0x9000004A  }
0x67: {  	s0 =	sadd.s32 @!p0 $0x100000, s1;
	[bflag:$0x2] =	sbarrier.arrive $0xFFFF  }
0x68: {  	[sflag:s0] =	ssyncadd.tile.s32 @!p0 $0x1;
	_ =	shalt  }
.Lfunc_end1:
_tile_overlayer_lowered:
.L_overlay_start_2:
0x69: {  	(tag) =	ssettag $0x2  }
0x6a: {  	s0 =	rddreg [dreg:$0x0];
	s2 =	stileid.u32  }
0x6b: {  	s1 =	rddreg [dreg:$0x1];
	p0 =	sne.s32 s2, $0x0  }
0x6c: {  	s3 =	rddreg [dreg:$0x2];
	[bflag:$0x3] =	sbarrier.arrive $0xFFFF;
	s2 =	simm.s32 @!p0 $0x1C01  }
0x6d: {  	[timem:s3], [sflag:s2] =	dma.local @!p0 [hbm:s0], s1  }
0x6e: {  	s0 =	simm.s32 @!p0 $0x1  }
0x6f: {  	_ =	swait.ge @!p0 [sflag:s0], s1  }
0x70: {  	s1 =	ssub.s32 @!p0 $0x0, s1;
	[sflag:s0] =	ssyncset.done @!p0 $0x0  }
0x71: {  	[sflag:s0] =	ssyncadd.s32 @!p0 s1  }
0x72: {  	[bflag:$0x3] =	sbarrier.arrive $0xFFFF  }
0x73: {  	_ =	shalt  }

</sc_bundles>
